<compile_context>
chip_gen: v7x
topology: tpu7x:2x2x1
jax: 0.10.2.dev20260603
libtpu: 0.0.44.dev20260713+nightly
codegen_flags: <defaults>
</compile_context>

<pallas_src>
import functools

import jax
import jax.numpy as jnp
from jax import lax
from jax.experimental import pallas as pl
from jax.experimental.pallas import tpu as pltpu
from jax.experimental.pallas import tpu_sc as plsc

N = 10000
E = 320000
D = 128
DH = 64
DP = 80
NC = 2
NS = 16
CH = 128
IG = 8
NGRP = 20
NCHUNK = NGRP * IG
EPT = NCHUNK * CH
E_PAD = EPT * NS
K = 4
LEAD = 2
N_ACC = 10112
DUMMY = 10048
ROWS_PER_TILE = N_ACC // NS


def _mlp_body(x_ref, w1_ref, w2_ref, out0_ref, out1_ref):
    h = jnp.maximum(jnp.dot(x_ref[...], w1_ref[...],
                            preferred_element_type=jnp.float32), 0.0)
    h = jnp.dot(h, w2_ref[...], preferred_element_type=jnp.float32)
    b = h.shape[0]
    ones = jnp.ones((b, 1), jnp.float32)
    zeros = jnp.zeros((b, DP - DH - 1), jnp.float32)
    out0_ref[...] = jnp.concatenate([h[:, :DH], ones, zeros], axis=1)
    out1_ref[...] = jnp.concatenate([h[:, DH:], ones, zeros], axis=1)


def _node_mlp(x, W1, W2):
    BM = 2000
    return pl.pallas_call(
        _mlp_body,
        grid=(N // BM,),
        in_specs=[pl.BlockSpec((BM, D), lambda i: (i, 0)),
                  pl.BlockSpec((D, D), lambda i: (0, 0)),
                  pl.BlockSpec((D, D), lambda i: (0, 0))],
        out_specs=[pl.BlockSpec((BM, DP), lambda i: (i, 0)),
                   pl.BlockSpec((BM, DP), lambda i: (i, 0))],
        out_shape=[jax.ShapeDtypeStruct((N, DP), jnp.float32),
                   jax.ShapeDtypeStruct((N, DP), jnp.float32)],
    )(x, W1, W2)


def _seg_body(g_hbm, row_hbm, col_hbm, zero_hbm, feat_out,
              rows0, rows1, rows2, rows3, ridx0, cidx0, ridx1, cidx1,
              acc_f, sg0, sg1, sg2, sg3, ss0, ss1, ss2, ss3, sem_i):
    cid = lax.axis_index("c")
    sid = lax.axis_index("s")

    zbase = sid * ROWS_PER_TILE
    pltpu.sync_copy(zero_hbm.at[pl.ds(zbase, ROWS_PER_TILE)],
                    acc_f.at[pl.ds(zbase, ROWS_PER_TILE)])
    pltpu.sync_copy(row_hbm.at[cid, sid, 0], ridx0)
    pltpu.sync_copy(col_hbm.at[sid, 0], cidx0)
    plsc.subcore_barrier()

    rows = (rows0, rows1, rows2, rows3)
    sem_g = (sg0, sg1, sg2, sg3)
    sem_s = (ss0, ss1, ss2, ss3)
    ridx = (ridx0, ridx1)
    cidx = (cidx0, cidx1)

    def issue_gather(idx_row, b):
        pltpu.async_copy(g_hbm.at[idx_row], rows[b], sem_g[b])

    def issue_scat(idx_row, b):
        pltpu.async_copy(rows[b], acc_f.at[idx_row], sem_s[b], add=True)

    def wait_g(b):
        pltpu.make_async_copy(g_hbm.at[ridx0.at[0]], rows[b], sem_g[b]).wait()

    def wait_s(b):
        pltpu.make_async_copy(rows[b], acc_f.at[cidx0.at[0]], sem_s[b]).wait()

    def wait_i():
        pltpu.make_async_copy(row_hbm.at[0, 0, 0], ridx0, sem_i).wait()
        pltpu.make_async_copy(col_hbm.at[0, 0], cidx0, sem_i).wait()

    issue_gather(ridx0.at[0], 0)
    issue_gather(ridx0.at[1], 1)

    @pl.loop(0, NCHUNK // (2 * IG))
    def _super(r):
        for h in range(2):
            g = r * 2 + h
            for j in range(IG):
                c = g * IG + j
                b = j % K
                wait_g(b)
                issue_scat(cidx[h].at[j], b)
                b2 = (j + K - LEAD) % K
                if h == 0 and j < LEAD:
                    @pl.when(r > 0)
                    def _ws():
                        wait_s(b2)
                else:
                    wait_s(b2)
                if j == LEAD:
                    @pl.when(g < NGRP - 1)
                    def _load_next_idx():
                        pltpu.async_copy(row_hbm.at[cid, sid, g + 1],
                                         ridx[1 - h], sem_i)
                        pltpu.async_copy(col_hbm.at[sid, g + 1],
                                         cidx[1 - h], sem_i)
                if j == IG - LEAD - 1:
                    @pl.when(g < NGRP - 1)
                    def _wi():
                        wait_i()
                jn = j + LEAD
                if jn < IG:
                    issue_gather(ridx[h].at[jn], b2)
                else:

                    @pl.when(g < NGRP - 1)
                    def _gnext():
                        issue_gather(ridx[1 - h].at[jn - IG], b2)

    wait_s((NCHUNK - 2) % K)
    wait_s((NCHUNK - 1) % K)

    plsc.subcore_barrier()
    pltpu.sync_copy(acc_f.at[pl.ds(zbase, ROWS_PER_TILE)],
                    feat_out.at[cid, pl.ds(zbase, ROWS_PER_TILE)])


@functools.cache
def _make_seg_sum():
    return pl.kernel(
        _seg_body,
        out_type=jax.ShapeDtypeStruct((NC, N_ACC, DP), jnp.float32),
        mesh=plsc.VectorSubcoreMesh(core_axis_name="c", subcore_axis_name="s",
                                    num_cores=NC, num_subcores=NS),
        scratch_types=[
            pltpu.VMEM((CH, DP), jnp.float32),
            pltpu.VMEM((CH, DP), jnp.float32),
            pltpu.VMEM((CH, DP), jnp.float32),
            pltpu.VMEM((CH, DP), jnp.float32),
            pltpu.VMEM((IG, CH), jnp.int32),
            pltpu.VMEM((IG, CH), jnp.int32),
            pltpu.VMEM((IG, CH), jnp.int32),
            pltpu.VMEM((IG, CH), jnp.int32),
            pltpu.VMEM_SHARED((N_ACC, DP), jnp.float32),
            pltpu.SemaphoreType.DMA,
            pltpu.SemaphoreType.DMA,
            pltpu.SemaphoreType.DMA,
            pltpu.SemaphoreType.DMA,
            pltpu.SemaphoreType.DMA,
            pltpu.SemaphoreType.DMA,
            pltpu.SemaphoreType.DMA,
            pltpu.SemaphoreType.DMA,
            pltpu.SemaphoreType.DMA,
        ],
        compiler_params=pltpu.CompilerParams(use_tc_tiling_on_sc=False),
    )


def _post_body(p0_ref, p1_ref, x_ref, w_ref,
               g1_ref, b1_ref, g2_ref, b2_ref,
               wo1a_ref, wo1b_ref, wo2_ref, out_ref):
    p0 = p0_ref[...]
    p1 = p1_ref[...]
    sums = jnp.concatenate([p0[:, :DH], p1[:, :DH]], axis=1)
    cnt = p0[:, DH:DH + 1]
    agg = sums / jnp.maximum(cnt, 1.0)
    m1 = jnp.mean(agg, axis=-1, keepdims=True)
    v1 = jnp.mean((agg - m1) ** 2, axis=-1, keepdims=True)
    agg_n = (agg - m1) * lax.rsqrt(v1 + 1e-5) * g1_ref[...] + b1_ref[...]
    x = x_ref[...]
    y = x + (x - agg_n) * w_ref[...]
    m2 = jnp.mean(y, axis=-1, keepdims=True)
    v2 = jnp.mean((y - m2) ** 2, axis=-1, keepdims=True)
    fx = (y - m2) * lax.rsqrt(v2 + 1e-5) * g2_ref[...] + b2_ref[...]
    h = jnp.maximum(jnp.dot(fx, wo1a_ref[...], preferred_element_type=jnp.float32)
                    + jnp.dot(agg_n, wo1b_ref[...], preferred_element_type=jnp.float32),
                    0.0)
    out_ref[...] = jnp.dot(h, wo2_ref[...], preferred_element_type=jnp.float32)


def _post(p0, p1, x, w, ln1_g, ln1_b, ln2_g, ln2_b, Wo1a, Wo1b, Wo2):
    BM = 2000
    vec = lambda: pl.BlockSpec((1, D), lambda i: (0, 0))
    mat = lambda: pl.BlockSpec((D, D), lambda i: (0, 0))
    return pl.pallas_call(
        _post_body,
        grid=(N // BM,),
        in_specs=[pl.BlockSpec((BM, DP), lambda i: (i, 0)),
                  pl.BlockSpec((BM, DP), lambda i: (i, 0)),
                  pl.BlockSpec((BM, D), lambda i: (i, 0)),
                  vec(), vec(), vec(), vec(), vec(),
                  mat(), mat(), mat()],
        out_specs=pl.BlockSpec((BM, D), lambda i: (i, 0)),
        out_shape=jax.ShapeDtypeStruct((N, D), jnp.float32),
    )(p0, p1, x, w, ln1_g, ln1_b, ln2_g, ln2_b, Wo1a, Wo1b, Wo2)


def kernel(x, edge_index, W1, W2, w, ln1_g, ln1_b, ln2_g, ln2_b, Wo1, Wo2):
    row = edge_index[0].astype(jnp.int32)
    col = edge_index[1].astype(jnp.int32)
    pad = E_PAD - E
    row_p = jnp.concatenate([row, jnp.zeros((pad,), jnp.int32)])
    col_p = jnp.concatenate([col, jnp.full((pad,), DUMMY, jnp.int32)])
    row_p = row_p.reshape(NS, NGRP, IG, CH)
    row_h = jnp.stack([row_p, row_p + N])
    col_h = col_p.reshape(NS, NGRP, IG, CH)
    zero = jnp.zeros((N_ACC, DP), jnp.float32)

    g0, g1 = _node_mlp(x, W1, W2)
    gt = jnp.concatenate([g0, g1], axis=0)
    pf = _make_seg_sum()(gt, row_h, col_h, zero)

    return _post(pf[0, :N], pf[1, :N], x,
                 w.reshape(1, D),
                 ln1_g.reshape(1, D), ln1_b.reshape(1, D),
                 ln2_g.reshape(1, D), ln2_b.reshape(1, D),
                 Wo1[:D], Wo1[D:], Wo2)

# --- scband reference (transcript-rebuilt; emitter-appended) ---
"""Pipeline reference for scband-node-model-43980465111676 (READ-ONLY COPY).

The authoritative reference and input builder live on the scoring server;
editing this copy changes nothing except your own understanding.
"""

import jax, jax.numpy as jnp
import numpy as np

N, E, D, D_OUT = 10000, 320000, 128, 128


def layer_norm(x, g, b, eps=1e-5):
    m = jnp.mean(x, axis=-1, keepdims=True)
    v = jnp.var(x, axis=-1, keepdims=True)
    return (x - m) / jnp.sqrt(v + eps) * g + b


def setup_inputs(seed: int = 0) -> dict:
    key = jax.random.key(seed)
    ks = jax.random.split(key, 8)
    x = jax.random.normal(ks[0], (N, D), dtype=jnp.float32)
    edge_index = jax.random.randint(ks[1], (2, E), 0, N)
    s = 1.0 / np.sqrt(D)
    so = 1.0 / np.sqrt(2 * D)
    W1 = jax.random.normal(ks[2], (D, D), dtype=jnp.float32) * s
    W2 = jax.random.normal(ks[3], (D, D), dtype=jnp.float32) * s
    w = jnp.ones((D,), dtype=jnp.float32)
    ln1_g = jnp.ones((D,), dtype=jnp.float32)
    ln1_b = jnp.zeros((D,), dtype=jnp.float32)
    ln2_g = jnp.ones((D,), dtype=jnp.float32)
    ln2_b = jnp.zeros((D,), dtype=jnp.float32)
    Wo1 = jax.random.normal(ks[4], (2 * D, D), dtype=jnp.float32) * so
    Wo2 = jax.random.normal(ks[5], (D, D_OUT), dtype=jnp.float32) * s
    return {"x": x, "edge_index": edge_index, "W1": W1, "W2": W2, "w": w,
            "ln1_g": ln1_g, "ln1_b": ln1_b, "ln2_g": ln2_g, "ln2_b": ln2_b,
            "Wo1": Wo1, "Wo2": Wo2}


def reference(x, edge_index, W1, W2, w, ln1_g, ln1_b, ln2_g, ln2_b, Wo1, Wo2):
    row = edge_index[0]
    col = edge_index[1]
    # message_mlp on gathered source-node features
    neighbor_msg = jnp.maximum(x[row] @ W1, 0.0) @ W2
    # scatter_mean over destination nodes
    sums = jax.ops.segment_sum(neighbor_msg, col, num_segments=N)
    cnt = jax.ops.segment_sum(jnp.ones((E, 1), dtype=x.dtype), col, num_segments=N)
    agg_neighbors = sums / jnp.clip(cnt, 1.0)
    agg_neighbors = layer_norm(agg_neighbors, ln1_g, ln1_b)
    repulsion = (x - agg_neighbors) * w
    fx = layer_norm(x + repulsion, ln2_g, ln2_b)
    out_final = jnp.concatenate([fx, agg_neighbors], axis=1)
    return jnp.maximum(out_final @ Wo1, 0.0) @ Wo2

if __name__ == "__main__":
    import jax
    _d = setup_inputs()
    print(jax.jit(kernel)(*tuple(_d.values())))

</pallas_src>

<mosaic_0001>
#map = affine_map<(d0, d1) -> (0, 0)>
#map1 = affine_map<(d0, d1) -> (0, 0, 0, 0, 0)>
#map2 = affine_map<(d0, d1) -> (0, 0, 0, 0)>
#map3 = affine_map<(d0, d1) -> (0, 0, 0)>
module attributes {stable_mosaic.version = 14 : i64} {
  func.func @_seg_body(%arg0: i32, %arg1: i32, %arg2: memref<20000x80xf32, #tpu.memory_space<hbm>>, %arg3: memref<2x16x20x8x128xi32, #tpu.memory_space<hbm>>, %arg4: memref<16x20x8x128xi32, #tpu.memory_space<hbm>>, %arg5: memref<10112x80xf32, #tpu.memory_space<hbm>>, %arg6: memref<2x10112x80xf32, #tpu.memory_space<hbm>>, %arg7: memref<128x80xf32, #tpu.memory_space<vmem>>, %arg8: memref<128x80xf32, #tpu.memory_space<vmem>>, %arg9: memref<128x80xf32, #tpu.memory_space<vmem>>, %arg10: memref<128x80xf32, #tpu.memory_space<vmem>>, %arg11: memref<8x128xi32, #tpu.memory_space<vmem>>, %arg12: memref<8x128xi32, #tpu.memory_space<vmem>>, %arg13: memref<8x128xi32, #tpu.memory_space<vmem>>, %arg14: memref<8x128xi32, #tpu.memory_space<vmem>>, %arg15: memref<10112x80xf32, #tpu.memory_space<vmem_shared>>, %arg16: memref<!tpu.dma_semaphore, #tpu.memory_space<semaphore_mem>>, %arg17: memref<!tpu.dma_semaphore, #tpu.memory_space<semaphore_mem>>, %arg18: memref<!tpu.dma_semaphore, #tpu.memory_space<semaphore_mem>>, %arg19: memref<!tpu.dma_semaphore, #tpu.memory_space<semaphore_mem>>, %arg20: memref<!tpu.dma_semaphore, #tpu.memory_space<semaphore_mem>>, %arg21: memref<!tpu.dma_semaphore, #tpu.memory_space<semaphore_mem>>, %arg22: memref<!tpu.dma_semaphore, #tpu.memory_space<semaphore_mem>>, %arg23: memref<!tpu.dma_semaphore, #tpu.memory_space<semaphore_mem>>, %arg24: memref<!tpu.dma_semaphore, #tpu.memory_space<semaphore_mem>>) attributes {dimension_semantics = [#tpu.dimension_semantics<core_parallel>, #tpu.dimension_semantics<subcore_parallel>], iteration_bounds = array<i64: 2, 16>, scalar_prefetch = 0 : i64, scratch_operands = 18 : i64, tpu.core_type = #tpu.core_type<sc_vector_subcore>, window_params = [{transform_indices = #map}, {transform_indices = #map1}, {transform_indices = #map2}, {transform_indices = #map}, {transform_indices = #map3}]} {
    %mul3A = arith.constant 632 : i32
    %mul3A_0 = arith.muli %arg1, %mul3A : i32
    "tpu.region"() ({
      %run_scoped3A_33 = tpu.sem_alloc : memref<!tpu.dma_semaphore, #tpu.memory_space<semaphore_mem>>
      %dma_start3A_34 = arith.constant 0 : i32
      %dma_start3A_35 = tpu.memref_slice %arg15[%mul3A_0, %dma_start3A_34] : memref<10112x80xf32, #tpu.memory_space<vmem_shared>> -> memref<632x80xf32, #tpu.memory_space<vmem_shared>>
      %dma_start3A_36 = arith.constant 0 : i32
      %dma_start3A_37 = tpu.memref_slice %arg5[%mul3A_0, %dma_start3A_36] : memref<10112x80xf32, #tpu.memory_space<hbm>> -> memref<632x80xf32, #tpu.memory_space<hbm>>
      tpu.enqueue_dma source(%dma_start3A_37 : memref<632x80xf32, #tpu.memory_space<hbm>>) target(%dma_start3A_35 : memref<632x80xf32, #tpu.memory_space<vmem_shared>>) target_semaphore(%run_scoped3A_33 : memref<!tpu.dma_semaphore, #tpu.memory_space<semaphore_mem>>)
      %dma_wait3A_38 = arith.constant 0 : i32
      %dma_wait3A_39 = tpu.memref_slice %arg15[%mul3A_0, %dma_wait3A_38] : memref<10112x80xf32, #tpu.memory_space<vmem_shared>> -> memref<632x80xf32, #tpu.memory_space<vmem_shared>>
      %dma_wait3A_40 = arith.constant 0 : i32
      %dma_wait3A_41 = tpu.memref_slice %arg5[%mul3A_0, %dma_wait3A_40] : memref<10112x80xf32, #tpu.memory_space<hbm>> -> memref<632x80xf32, #tpu.memory_space<hbm>>
      tpu.wait_dma2 semaphore(%run_scoped3A_33 : memref<!tpu.dma_semaphore, #tpu.memory_space<semaphore_mem>>) src(%dma_wait3A_41 : memref<632x80xf32, #tpu.memory_space<hbm>>) dst(%dma_wait3A_39 : memref<632x80xf32, #tpu.memory_space<vmem_shared>>)
      tpu.yield
    }) : () -> ()
    %run_scoped3A = arith.constant 0 : i32
    "tpu.region"() ({
      %run_scoped3A_33 = tpu.sem_alloc : memref<!tpu.dma_semaphore, #tpu.memory_space<semaphore_mem>>
      %dma_start3A_34 = arith.constant 0 : i32
      %dma_start3A_35 = arith.constant 0 : i32
      %dma_start3A_36 = tpu.memref_slice %arg3[%arg0, %arg1, %run_scoped3A, %dma_start3A_34, %dma_start3A_35] : memref<2x16x20x8x128xi32, #tpu.memory_space<hbm>> -> memref<1x1x1x8x128xi32, #tpu.memory_space<hbm>>
      %dma_start3A_37 = tpu.memref_squeeze %dma_start3A_36 : memref<1x1x1x8x128xi32, #tpu.memory_space<hbm>> -> memref<8x128xi32, #tpu.memory_space<hbm>>
      %dma_start3A_38 = arith.constant 0 : i32
      %dma_start3A_39 = arith.constant 0 : i32
      %dma_start3A_40 = tpu.memref_slice %arg3[%arg0, %arg1, %run_scoped3A, %dma_start3A_38, %dma_start3A_39] : memref<2x16x20x8x128xi32, #tpu.memory_space<hbm>> -> memref<1x1x1x8x128xi32, #tpu.memory_space<hbm>>
      %dma_start3A_41 = tpu.memref_squeeze %dma_start3A_40 : memref<1x1x1x8x128xi32, #tpu.memory_space<hbm>> -> memref<8x128xi32, #tpu.memory_space<hbm>>
      tpu.enqueue_dma source(%dma_start3A_41 : memref<8x128xi32, #tpu.memory_space<hbm>>) target(%arg11 : memref<8x128xi32, #tpu.memory_space<vmem>>) target_semaphore(%run_scoped3A_33 : memref<!tpu.dma_semaphore, #tpu.memory_space<semaphore_mem>>)
      %dma_wait3A_42 = arith.constant 0 : i32
      %dma_wait3A_43 = arith.constant 0 : i32
      %dma_wait3A_44 = tpu.memref_slice %arg3[%arg0, %arg1, %run_scoped3A, %dma_wait3A_42, %dma_wait3A_43] : memref<2x16x20x8x128xi32, #tpu.memory_space<hbm>> -> memref<1x1x1x8x128xi32, #tpu.memory_space<hbm>>
      %dma_wait3A_45 = tpu.memref_squeeze %dma_wait3A_44 : memref<1x1x1x8x128xi32, #tpu.memory_space<hbm>> -> memref<8x128xi32, #tpu.memory_space<hbm>>
      %dma_wait3A_46 = arith.constant 0 : i32
      %dma_wait3A_47 = arith.constant 0 : i32
      %dma_wait3A_48 = tpu.memref_slice %arg3[%arg0, %arg1, %run_scoped3A, %dma_wait3A_46, %dma_wait3A_47] : memref<2x16x20x8x128xi32, #tpu.memory_space<hbm>> -> memref<1x1x1x8x128xi32, #tpu.memory_space<hbm>>
      %dma_wait3A_49 = tpu.memref_squeeze %dma_wait3A_48 : memref<1x1x1x8x128xi32, #tpu.memory_space<hbm>> -> memref<8x128xi32, #tpu.memory_space<hbm>>
      tpu.wait_dma2 semaphore(%run_scoped3A_33 : memref<!tpu.dma_semaphore, #tpu.memory_space<semaphore_mem>>) src(%dma_wait3A_49 : memref<8x128xi32, #tpu.memory_space<hbm>>) dst(%arg11 : memref<8x128xi32, #tpu.memory_space<vmem>>)
      tpu.yield
    }) : () -> ()
    %run_scoped3A_1 = arith.constant 0 : i32
    "tpu.region"() ({
      %run_scoped3A_33 = tpu.sem_alloc : memref<!tpu.dma_semaphore, #tpu.memory_space<semaphore_mem>>
      %dma_start3A_34 = arith.constant 0 : i32
      %dma_start3A_35 = arith.constant 0 : i32
      %dma_start3A_36 = tpu.memref_slice %arg4[%arg1, %run_scoped3A_1, %dma_start3A_34, %dma_start3A_35] : memref<16x20x8x128xi32, #tpu.memory_space<hbm>> -> memref<1x1x8x128xi32, #tpu.memory_space<hbm>>
      %dma_start3A_37 = tpu.memref_squeeze %dma_start3A_36 : memref<1x1x8x128xi32, #tpu.memory_space<hbm>> -> memref<8x128xi32, #tpu.memory_space<hbm>>
      %dma_start3A_38 = arith.constant 0 : i32
      %dma_start3A_39 = arith.constant 0 : i32
      %dma_start3A_40 = tpu.memref_slice %arg4[%arg1, %run_scoped3A_1, %dma_start3A_38, %dma_start3A_39] : memref<16x20x8x128xi32, #tpu.memory_space<hbm>> -> memref<1x1x8x128xi32, #tpu.memory_space<hbm>>
      %dma_start3A_41 = tpu.memref_squeeze %dma_start3A_40 : memref<1x1x8x128xi32, #tpu.memory_space<hbm>> -> memref<8x128xi32, #tpu.memory_space<hbm>>
      tpu.enqueue_dma source(%dma_start3A_41 : memref<8x128xi32, #tpu.memory_space<hbm>>) target(%arg12 : memref<8x128xi32, #tpu.memory_space<vmem>>) target_semaphore(%run_scoped3A_33 : memref<!tpu.dma_semaphore, #tpu.memory_space<semaphore_mem>>)
      %dma_wait3A_42 = arith.constant 0 : i32
      %dma_wait3A_43 = arith.constant 0 : i32
      %dma_wait3A_44 = tpu.memref_slice %arg4[%arg1, %run_scoped3A_1, %dma_wait3A_42, %dma_wait3A_43] : memref<16x20x8x128xi32, #tpu.memory_space<hbm>> -> memref<1x1x8x128xi32, #tpu.memory_space<hbm>>
      %dma_wait3A_45 = tpu.memref_squeeze %dma_wait3A_44 : memref<1x1x8x128xi32, #tpu.memory_space<hbm>> -> memref<8x128xi32, #tpu.memory_space<hbm>>
      %dma_wait3A_46 = arith.constant 0 : i32
      %dma_wait3A_47 = arith.constant 0 : i32
      %dma_wait3A_48 = tpu.memref_slice %arg4[%arg1, %run_scoped3A_1, %dma_wait3A_46, %dma_wait3A_47] : memref<16x20x8x128xi32, #tpu.memory_space<hbm>> -> memref<1x1x8x128xi32, #tpu.memory_space<hbm>>
      %dma_wait3A_49 = tpu.memref_squeeze %dma_wait3A_48 : memref<1x1x8x128xi32, #tpu.memory_space<hbm>> -> memref<8x128xi32, #tpu.memory_space<hbm>>
      tpu.wait_dma2 semaphore(%run_scoped3A_33 : memref<!tpu.dma_semaphore, #tpu.memory_space<semaphore_mem>>) src(%dma_wait3A_49 : memref<8x128xi32, #tpu.memory_space<hbm>>) dst(%arg12 : memref<8x128xi32, #tpu.memory_space<vmem>>)
      tpu.yield
    }) : () -> ()
    %barrier3A = arith.constant 0 : index
    tpu.barrier barrier_id(%barrier3A)
    %dma_start3A = arith.constant 0 : i32
    %dma_start3A_2 = arith.constant 0 : i32
    %dma_start3A_3 = tpu.memref_slice %arg11[%dma_start3A, %dma_start3A_2] : memref<8x128xi32, #tpu.memory_space<vmem>> -> memref<1x128xi32, #tpu.memory_space<vmem>>
    %dma_start3A_4 = tpu.memref_squeeze %dma_start3A_3 : memref<1x128xi32, #tpu.memory_space<vmem>> -> memref<128xi32, #tpu.memory_space<vmem>>
    %dma_start3A_5 = arith.constant 0 : i32
    %dma_start3A_6 = arith.constant 0 : i32
    %dma_start3A_7 = tpu.memref_slice %arg2[%dma_start3A_5, %dma_start3A_6] : memref<20000x80xf32, #tpu.memory_space<hbm>> -> memref<20000x80xf32, #tpu.memory_space<hbm>>
    tpu.enqueue_indirect_dma source(%dma_start3A_7 : memref<20000x80xf32, #tpu.memory_space<hbm>>) target(%arg7 : memref<128x80xf32, #tpu.memory_space<vmem>>) offsets(%dma_start3A_4 : memref<128xi32, #tpu.memory_space<vmem>>) semaphore(%arg16 : memref<!tpu.dma_semaphore, #tpu.memory_space<semaphore_mem>>)
    %dma_start3A_8 = arith.constant 1 : i32
    %dma_start3A_9 = arith.constant 0 : i32
    %dma_start3A_10 = tpu.memref_slice %arg11[%dma_start3A_8, %dma_start3A_9] : memref<8x128xi32, #tpu.memory_space<vmem>> -> memref<1x128xi32, #tpu.memory_space<vmem>>
    %dma_start3A_11 = tpu.memref_squeeze %dma_start3A_10 : memref<1x128xi32, #tpu.memory_space<vmem>> -> memref<128xi32, #tpu.memory_space<vmem>>
    %dma_start3A_12 = arith.constant 0 : i32
    %dma_start3A_13 = arith.constant 0 : i32
    %dma_start3A_14 = tpu.memref_slice %arg2[%dma_start3A_12, %dma_start3A_13] : memref<20000x80xf32, #tpu.memory_space<hbm>> -> memref<20000x80xf32, #tpu.memory_space<hbm>>
    tpu.enqueue_indirect_dma source(%dma_start3A_14 : memref<20000x80xf32, #tpu.memory_space<hbm>>) target(%arg8 : memref<128x80xf32, #tpu.memory_space<vmem>>) offsets(%dma_start3A_11 : memref<128xi32, #tpu.memory_space<vmem>>) semaphore(%arg17 : memref<!tpu.dma_semaphore, #tpu.memory_space<semaphore_mem>>)
    %scan3A = arith.constant 0 : i32
    %scan3A_15 = arith.constant 10 : i32
    %scan3A_16 = arith.addi %scan3A, %scan3A_15 : i32
    %scan3A_17 = arith.constant 1 : i32
    scf.for %scan3A_33 = %scan3A to %scan3A_16 step %scan3A_17  : i32 {
      %mul3A_34 = arith.constant 1 : i32
      %mul3A_35 = arith.muli %scan3A_33, %mul3A_34 : i32
      %add3A = arith.constant 0 : i32
      %add3A_36 = arith.addi %add3A, %mul3A_35 : i32
      %mul3A_37 = arith.constant 2 : i32
      %mul3A_38 = arith.muli %add3A_36, %mul3A_37 : i32
      %add3A_39 = arith.constant 0 : i32
      %add3A_40 = arith.addi %mul3A_38, %add3A_39 : i32
      %mul3A_41 = arith.constant 8 : i32
      %mul3A_42 = arith.muli %add3A_40, %mul3A_41 : i32
      %add3A_43 = arith.constant 0 : i32
      %add3A_44 = arith.addi %mul3A_42, %add3A_43 : i32
      %dma_wait3A_45 = arith.constant 0 : i32
      %dma_wait3A_46 = arith.constant 0 : i32
      %dma_wait3A_47 = tpu.memref_slice %arg11[%dma_wait3A_45, %dma_wait3A_46] : memref<8x128xi32, #tpu.memory_space<vmem>> -> memref<1x128xi32, #tpu.memory_space<vmem>>
      %dma_wait3A_48 = tpu.memref_squeeze %dma_wait3A_47 : memref<1x128xi32, #tpu.memory_space<vmem>> -> memref<128xi32, #tpu.memory_space<vmem>>
      %dma_wait3A_49 = arith.constant 0 : i32
      %dma_wait3A_50 = arith.constant 0 : i32
      %dma_wait3A_51 = tpu.memref_slice %arg2[%dma_wait3A_49, %dma_wait3A_50] : memref<20000x80xf32, #tpu.memory_space<hbm>> -> memref<20000x80xf32, #tpu.memory_space<hbm>>
      tpu.wait_indirect_dma semaphore(%arg16 : memref<!tpu.dma_semaphore, #tpu.memory_space<semaphore_mem>>) src(%dma_wait3A_51 : memref<20000x80xf32, #tpu.memory_space<hbm>>) dst(%arg7 : memref<128x80xf32, #tpu.memory_space<vmem>>)
      %dma_start3A_52 = arith.constant 0 : i32
      %dma_start3A_53 = arith.constant 0 : i32
      %dma_start3A_54 = tpu.memref_slice %arg12[%dma_start3A_52, %dma_start3A_53] : memref<8x128xi32, #tpu.memory_space<vmem>> -> memref<1x128xi32, #tpu.memory_space<vmem>>
      %dma_start3A_55 = tpu.memref_squeeze %dma_start3A_54 : memref<1x128xi32, #tpu.memory_space<vmem>> -> memref<128xi32, #tpu.memory_space<vmem>>
      %dma_start3A_56 = arith.constant 0 : i32
      %dma_start3A_57 = arith.constant 0 : i32
      %dma_start3A_58 = tpu.memref_slice %arg15[%dma_start3A_56, %dma_start3A_57] : memref<10112x80xf32, #tpu.memory_space<vmem_shared>> -> memref<10112x80xf32, #tpu.memory_space<vmem_shared>>
      tpu.enqueue_indirect_dma source(%arg7 : memref<128x80xf32, #tpu.memory_space<vmem>>) target(%dma_start3A_58 : memref<10112x80xf32, #tpu.memory_space<vmem_shared>>) offsets(%dma_start3A_55 : memref<128xi32, #tpu.memory_space<vmem>>) semaphore(%arg20 : memref<!tpu.dma_semaphore, #tpu.memory_space<semaphore_mem>>) {add = true}
      %gt3A = arith.constant 0 : i32
      %gt3A_59 = arith.cmpi sgt, %add3A_36, %gt3A : i32
      %convert_element_type3A = arith.extui %gt3A_59 : i1 to i32
      %cond3A = arith.constant 0 : i32
      %cond3A_60 = arith.cmpi ne, %convert_element_type3A, %cond3A : i32
      scf.if %cond3A_60 {
        %dma_wait3A_561 = arith.constant 0 : i32
        %dma_wait3A_562 = arith.constant 0 : i32
        %dma_wait3A_563 = tpu.memref_slice %arg12[%dma_wait3A_561, %dma_wait3A_562] : memref<8x128xi32, #tpu.memory_space<vmem>> -> memref<1x128xi32, #tpu.memory_space<vmem>>
        %dma_wait3A_564 = tpu.memref_squeeze %dma_wait3A_563 : memref<1x128xi32, #tpu.memory_space<vmem>> -> memref<128xi32, #tpu.memory_space<vmem>>
        %dma_wait3A_565 = arith.constant 0 : i32
        %dma_wait3A_566 = arith.constant 0 : i32
        %dma_wait3A_567 = tpu.memref_slice %arg15[%dma_wait3A_565, %dma_wait3A_566] : memref<10112x80xf32, #tpu.memory_space<vmem_shared>> -> memref<10112x80xf32, #tpu.memory_space<vmem_shared>>
        tpu.wait_indirect_dma semaphore(%arg22 : memref<!tpu.dma_semaphore, #tpu.memory_space<semaphore_mem>>) src(%arg9 : memref<128x80xf32, #tpu.memory_space<vmem>>) dst(%dma_wait3A_567 : memref<10112x80xf32, #tpu.memory_space<vmem_shared>>)
      } else {
      }
      %dma_start3A_61 = arith.constant 2 : i32
      %dma_start3A_62 = arith.constant 0 : i32
      %dma_start3A_63 = tpu.memref_slice %arg11[%dma_start3A_61, %dma_start3A_62] : memref<8x128xi32, #tpu.memory_space<vmem>> -> memref<1x128xi32, #tpu.memory_space<vmem>>
      %dma_start3A_64 = tpu.memref_squeeze %dma_start3A_63 : memref<1x128xi32, #tpu.memory_space<vmem>> -> memref<128xi32, #tpu.memory_space<vmem>>
      %dma_start3A_65 = arith.constant 0 : i32
      %dma_start3A_66 = arith.constant 0 : i32
      %dma_start3A_67 = tpu.memref_slice %arg2[%dma_start3A_65, %dma_start3A_66] : memref<20000x80xf32, #tpu.memory_space<hbm>> -> memref<20000x80xf32, #tpu.memory_space<hbm>>
      tpu.enqueue_indirect_dma source(%dma_start3A_67 : memref<20000x80xf32, #tpu.memory_space<hbm>>) target(%arg9 : memref<128x80xf32, #tpu.memory_space<vmem>>) offsets(%dma_start3A_64 : memref<128xi32, #tpu.memory_space<vmem>>) semaphore(%arg18 : memref<!tpu.dma_semaphore, #tpu.memory_space<semaphore_mem>>)
      %mul3A_68 = arith.constant 8 : i32
      %mul3A_69 = arith.muli %add3A_40, %mul3A_68 : i32
      %add3A_70 = arith.constant 1 : i32
      %add3A_71 = arith.addi %mul3A_69, %add3A_70 : i32
      %dma_wait3A_72 = arith.constant 0 : i32
      %dma_wait3A_73 = arith.constant 0 : i32
      %dma_wait3A_74 = tpu.memref_slice %arg11[%dma_wait3A_72, %dma_wait3A_73] : memref<8x128xi32, #tpu.memory_space<vmem>> -> memref<1x128xi32, #tpu.memory_space<vmem>>
      %dma_wait3A_75 = tpu.memref_squeeze %dma_wait3A_74 : memref<1x128xi32, #tpu.memory_space<vmem>> -> memref<128xi32, #tpu.memory_space<vmem>>
      %dma_wait3A_76 = arith.constant 0 : i32
      %dma_wait3A_77 = arith.constant 0 : i32
      %dma_wait3A_78 = tpu.memref_slice %arg2[%dma_wait3A_76, %dma_wait3A_77] : memref<20000x80xf32, #tpu.memory_space<hbm>> -> memref<20000x80xf32, #tpu.memory_space<hbm>>
      tpu.wait_indirect_dma semaphore(%arg17 : memref<!tpu.dma_semaphore, #tpu.memory_space<semaphore_mem>>) src(%dma_wait3A_78 : memref<20000x80xf32, #tpu.memory_space<hbm>>) dst(%arg8 : memref<128x80xf32, #tpu.memory_space<vmem>>)
      %dma_start3A_79 = arith.constant 1 : i32
      %dma_start3A_80 = arith.constant 0 : i32
      %dma_start3A_81 = tpu.memref_slice %arg12[%dma_start3A_79, %dma_start3A_80] : memref<8x128xi32, #tpu.memory_space<vmem>> -> memref<1x128xi32, #tpu.memory_space<vmem>>
      %dma_start3A_82 = tpu.memref_squeeze %dma_start3A_81 : memref<1x128xi32, #tpu.memory_space<vmem>> -> memref<128xi32, #tpu.memory_space<vmem>>
      %dma_start3A_83 = arith.constant 0 : i32
      %dma_start3A_84 = arith.constant 0 : i32
      %dma_start3A_85 = tpu.memref_slice %arg15[%dma_start3A_83, %dma_start3A_84] : memref<10112x80xf32, #tpu.memory_space<vmem_shared>> -> memref<10112x80xf32, #tpu.memory_space<vmem_shared>>
      tpu.enqueue_indirect_dma source(%arg8 : memref<128x80xf32, #tpu.memory_space<vmem>>) target(%dma_start3A_85 : memref<10112x80xf32, #tpu.memory_space<vmem_shared>>) offsets(%dma_start3A_82 : memref<128xi32, #tpu.memory_space<vmem>>) semaphore(%arg21 : memref<!tpu.dma_semaphore, #tpu.memory_space<semaphore_mem>>) {add = true}
      %gt3A_86 = arith.constant 0 : i32
      %gt3A_87 = arith.cmpi sgt, %add3A_36, %gt3A_86 : i32
      %convert_element_type3A_88 = arith.extui %gt3A_87 : i1 to i32
      %cond3A_89 = arith.constant 0 : i32
      %cond3A_90 = arith.cmpi ne, %convert_element_type3A_88, %cond3A_89 : i32
      scf.if %cond3A_90 {
        %dma_wait3A_561 = arith.constant 0 : i32
        %dma_wait3A_562 = arith.constant 0 : i32
        %dma_wait3A_563 = tpu.memref_slice %arg12[%dma_wait3A_561, %dma_wait3A_562] : memref<8x128xi32, #tpu.memory_space<vmem>> -> memref<1x128xi32, #tpu.memory_space<vmem>>
        %dma_wait3A_564 = tpu.memref_squeeze %dma_wait3A_563 : memref<1x128xi32, #tpu.memory_space<vmem>> -> memref<128xi32, #tpu.memory_space<vmem>>
        %dma_wait3A_565 = arith.constant 0 : i32
        %dma_wait3A_566 = arith.constant 0 : i32
        %dma_wait3A_567 = tpu.memref_slice %arg15[%dma_wait3A_565, %dma_wait3A_566] : memref<10112x80xf32, #tpu.memory_space<vmem_shared>> -> memref<10112x80xf32, #tpu.memory_space<vmem_shared>>
        tpu.wait_indirect_dma semaphore(%arg23 : memref<!tpu.dma_semaphore, #tpu.memory_space<semaphore_mem>>) src(%arg10 : memref<128x80xf32, #tpu.memory_space<vmem>>) dst(%dma_wait3A_567 : memref<10112x80xf32, #tpu.memory_space<vmem_shared>>)
      } else {
      }
      %dma_start3A_91 = arith.constant 3 : i32
      %dma_start3A_92 = arith.constant 0 : i32
      %dma_start3A_93 = tpu.memref_slice %arg11[%dma_start3A_91, %dma_start3A_92] : memref<8x128xi32, #tpu.memory_space<vmem>> -> memref<1x128xi32, #tpu.memory_space<vmem>>
      %dma_start3A_94 = tpu.memref_squeeze %dma_start3A_93 : memref<1x128xi32, #tpu.memory_space<vmem>> -> memref<128xi32, #tpu.memory_space<vmem>>
      %dma_start3A_95 = arith.constant 0 : i32
      %dma_start3A_96 = arith.constant 0 : i32
      %dma_start3A_97 = tpu.memref_slice %arg2[%dma_start3A_95, %dma_start3A_96] : memref<20000x80xf32, #tpu.memory_space<hbm>> -> memref<20000x80xf32, #tpu.memory_space<hbm>>
      tpu.enqueue_indirect_dma source(%dma_start3A_97 : memref<20000x80xf32, #tpu.memory_space<hbm>>) target(%arg10 : memref<128x80xf32, #tpu.memory_space<vmem>>) offsets(%dma_start3A_94 : memref<128xi32, #tpu.memory_space<vmem>>) semaphore(%arg19 : memref<!tpu.dma_semaphore, #tpu.memory_space<semaphore_mem>>)
      %mul3A_98 = arith.constant 8 : i32
      %mul3A_99 = arith.muli %add3A_40, %mul3A_98 : i32
      %add3A_100 = arith.constant 2 : i32
      %add3A_101 = arith.addi %mul3A_99, %add3A_100 : i32
      %dma_wait3A_102 = arith.constant 0 : i32
      %dma_wait3A_103 = arith.constant 0 : i32
      %dma_wait3A_104 = tpu.memref_slice %arg11[%dma_wait3A_102, %dma_wait3A_103] : memref<8x128xi32, #tpu.memory_space<vmem>> -> memref<1x128xi32, #tpu.memory_space<vmem>>
      %dma_wait3A_105 = tpu.memref_squeeze %dma_wait3A_104 : memref<1x128xi32, #tpu.memory_space<vmem>> -> memref<128xi32, #tpu.memory_space<vmem>>
      %dma_wait3A_106 = arith.constant 0 : i32
      %dma_wait3A_107 = arith.constant 0 : i32
      %dma_wait3A_108 = tpu.memref_slice %arg2[%dma_wait3A_106, %dma_wait3A_107] : memref<20000x80xf32, #tpu.memory_space<hbm>> -> memref<20000x80xf32, #tpu.memory_space<hbm>>
      tpu.wait_indirect_dma semaphore(%arg18 : memref<!tpu.dma_semaphore, #tpu.memory_space<semaphore_mem>>) src(%dma_wait3A_108 : memref<20000x80xf32, #tpu.memory_space<hbm>>) dst(%arg9 : memref<128x80xf32, #tpu.memory_space<vmem>>)
      %dma_start3A_109 = arith.constant 2 : i32
      %dma_start3A_110 = arith.constant 0 : i32
      %dma_start3A_111 = tpu.memref_slice %arg12[%dma_start3A_109, %dma_start3A_110] : memref<8x128xi32, #tpu.memory_space<vmem>> -> memref<1x128xi32, #tpu.memory_space<vmem>>
      %dma_start3A_112 = tpu.memref_squeeze %dma_start3A_111 : memref<1x128xi32, #tpu.memory_space<vmem>> -> memref<128xi32, #tpu.memory_space<vmem>>
      %dma_start3A_113 = arith.constant 0 : i32
      %dma_start3A_114 = arith.constant 0 : i32
      %dma_start3A_115 = tpu.memref_slice %arg15[%dma_start3A_113, %dma_start3A_114] : memref<10112x80xf32, #tpu.memory_space<vmem_shared>> -> memref<10112x80xf32, #tpu.memory_space<vmem_shared>>
      tpu.enqueue_indirect_dma source(%arg9 : memref<128x80xf32, #tpu.memory_space<vmem>>) target(%dma_start3A_115 : memref<10112x80xf32, #tpu.memory_space<vmem_shared>>) offsets(%dma_start3A_112 : memref<128xi32, #tpu.memory_space<vmem>>) semaphore(%arg22 : memref<!tpu.dma_semaphore, #tpu.memory_space<semaphore_mem>>) {add = true}
      %dma_wait3A_116 = arith.constant 0 : i32
      %dma_wait3A_117 = arith.constant 0 : i32
      %dma_wait3A_118 = tpu.memref_slice %arg12[%dma_wait3A_116, %dma_wait3A_117] : memref<8x128xi32, #tpu.memory_space<vmem>> -> memref<1x128xi32, #tpu.memory_space<vmem>>
      %dma_wait3A_119 = tpu.memref_squeeze %dma_wait3A_118 : memref<1x128xi32, #tpu.memory_space<vmem>> -> memref<128xi32, #tpu.memory_space<vmem>>
      %dma_wait3A_120 = arith.constant 0 : i32
      %dma_wait3A_121 = arith.constant 0 : i32
      %dma_wait3A_122 = tpu.memref_slice %arg15[%dma_wait3A_120, %dma_wait3A_121] : memref<10112x80xf32, #tpu.memory_space<vmem_shared>> -> memref<10112x80xf32, #tpu.memory_space<vmem_shared>>
      tpu.wait_indirect_dma semaphore(%arg20 : memref<!tpu.dma_semaphore, #tpu.memory_space<semaphore_mem>>) src(%arg7 : memref<128x80xf32, #tpu.memory_space<vmem>>) dst(%dma_wait3A_122 : memref<10112x80xf32, #tpu.memory_space<vmem_shared>>)
      %lt3A = arith.constant 19 : i32
      %lt3A_123 = arith.cmpi slt, %add3A_40, %lt3A : i32
      %convert_element_type3A_124 = arith.extui %lt3A_123 : i1 to i32
      %cond3A_125 = arith.constant 0 : i32
      %cond3A_126 = arith.cmpi ne, %convert_element_type3A_124, %cond3A_125 : i32
      scf.if %cond3A_126 {
        %add3A_561 = arith.constant 1 : i32
        %add3A_562 = arith.addi %add3A_40, %add3A_561 : i32
        %dma_start3A_563 = arith.constant 0 : i32
        %dma_start3A_564 = arith.constant 0 : i32
        %dma_start3A_565 = tpu.memref_slice %arg3[%arg0, %arg1, %add3A_562, %dma_start3A_563, %dma_start3A_564] : memref<2x16x20x8x128xi32, #tpu.memory_space<hbm>> -> memref<1x1x1x8x128xi32, #tpu.memory_space<hbm>>
        %dma_start3A_566 = tpu.memref_squeeze %dma_start3A_565 : memref<1x1x1x8x128xi32, #tpu.memory_space<hbm>> -> memref<8x128xi32, #tpu.memory_space<hbm>>
        %dma_start3A_567 = arith.constant 0 : i32
        %dma_start3A_568 = arith.constant 0 : i32
        %dma_start3A_569 = tpu.memref_slice %arg3[%arg0, %arg1, %add3A_562, %dma_start3A_567, %dma_start3A_568] : memref<2x16x20x8x128xi32, #tpu.memory_space<hbm>> -> memref<1x1x1x8x128xi32, #tpu.memory_space<hbm>>
        %dma_start3A_570 = tpu.memref_squeeze %dma_start3A_569 : memref<1x1x1x8x128xi32, #tpu.memory_space<hbm>> -> memref<8x128xi32, #tpu.memory_space<hbm>>
        tpu.enqueue_dma source(%dma_start3A_570 : memref<8x128xi32, #tpu.memory_space<hbm>>) target(%arg13 : memref<8x128xi32, #tpu.memory_space<vmem>>) target_semaphore(%arg24 : memref<!tpu.dma_semaphore, #tpu.memory_space<semaphore_mem>>)
        %add3A_571 = arith.constant 1 : i32
        %add3A_572 = arith.addi %add3A_40, %add3A_571 : i32
        %dma_start3A_573 = arith.constant 0 : i32
        %dma_start3A_574 = arith.constant 0 : i32
        %dma_start3A_575 = tpu.memref_slice %arg4[%arg1, %add3A_572, %dma_start3A_573, %dma_start3A_574] : memref<16x20x8x128xi32, #tpu.memory_space<hbm>> -> memref<1x1x8x128xi32, #tpu.memory_space<hbm>>
        %dma_start3A_576 = tpu.memref_squeeze %dma_start3A_575 : memref<1x1x8x128xi32, #tpu.memory_space<hbm>> -> memref<8x128xi32, #tpu.memory_space<hbm>>
        %dma_start3A_577 = arith.constant 0 : i32
        %dma_start3A_578 = arith.constant 0 : i32
        %dma_start3A_579 = tpu.memref_slice %arg4[%arg1, %add3A_572, %dma_start3A_577, %dma_start3A_578] : memref<16x20x8x128xi32, #tpu.memory_space<hbm>> -> memref<1x1x8x128xi32, #tpu.memory_space<hbm>>
        %dma_start3A_580 = tpu.memref_squeeze %dma_start3A_579 : memref<1x1x8x128xi32, #tpu.memory_space<hbm>> -> memref<8x128xi32, #tpu.memory_space<hbm>>
        tpu.enqueue_dma source(%dma_start3A_580 : memref<8x128xi32, #tpu.memory_space<hbm>>) target(%arg14 : memref<8x128xi32, #tpu.memory_space<vmem>>) target_semaphore(%arg24 : memref<!tpu.dma_semaphore, #tpu.memory_space<semaphore_mem>>)
      } else {
      }
      %dma_start3A_127 = arith.constant 4 : i32
      %dma_start3A_128 = arith.constant 0 : i32
      %dma_start3A_129 = tpu.memref_slice %arg11[%dma_start3A_127, %dma_start3A_128] : memref<8x128xi32, #tpu.memory_space<vmem>> -> memref<1x128xi32, #tpu.memory_space<vmem>>
      %dma_start3A_130 = tpu.memref_squeeze %dma_start3A_129 : memref<1x128xi32, #tpu.memory_space<vmem>> -> memref<128xi32, #tpu.memory_space<vmem>>
      %dma_start3A_131 = arith.constant 0 : i32
      %dma_start3A_132 = arith.constant 0 : i32
      %dma_start3A_133 = tpu.memref_slice %arg2[%dma_start3A_131, %dma_start3A_132] : memref<20000x80xf32, #tpu.memory_space<hbm>> -> memref<20000x80xf32, #tpu.memory_space<hbm>>
      tpu.enqueue_indirect_dma source(%dma_start3A_133 : memref<20000x80xf32, #tpu.memory_space<hbm>>) target(%arg7 : memref<128x80xf32, #tpu.memory_space<vmem>>) offsets(%dma_start3A_130 : memref<128xi32, #tpu.memory_space<vmem>>) semaphore(%arg16 : memref<!tpu.dma_semaphore, #tpu.memory_space<semaphore_mem>>)
      %mul3A_134 = arith.constant 8 : i32
      %mul3A_135 = arith.muli %add3A_40, %mul3A_134 : i32
      %add3A_136 = arith.constant 3 : i32
      %add3A_137 = arith.addi %mul3A_135, %add3A_136 : i32
      %dma_wait3A_138 = arith.constant 0 : i32
      %dma_wait3A_139 = arith.constant 0 : i32
      %dma_wait3A_140 = tpu.memref_slice %arg11[%dma_wait3A_138, %dma_wait3A_139] : memref<8x128xi32, #tpu.memory_space<vmem>> -> memref<1x128xi32, #tpu.memory_space<vmem>>
      %dma_wait3A_141 = tpu.memref_squeeze %dma_wait3A_140 : memref<1x128xi32, #tpu.memory_space<vmem>> -> memref<128xi32, #tpu.memory_space<vmem>>
      %dma_wait3A_142 = arith.constant 0 : i32
      %dma_wait3A_143 = arith.constant 0 : i32
      %dma_wait3A_144 = tpu.memref_slice %arg2[%dma_wait3A_142, %dma_wait3A_143] : memref<20000x80xf32, #tpu.memory_space<hbm>> -> memref<20000x80xf32, #tpu.memory_space<hbm>>
      tpu.wait_indirect_dma semaphore(%arg19 : memref<!tpu.dma_semaphore, #tpu.memory_space<semaphore_mem>>) src(%dma_wait3A_144 : memref<20000x80xf32, #tpu.memory_space<hbm>>) dst(%arg10 : memref<128x80xf32, #tpu.memory_space<vmem>>)
      %dma_start3A_145 = arith.constant 3 : i32
      %dma_start3A_146 = arith.constant 0 : i32
      %dma_start3A_147 = tpu.memref_slice %arg12[%dma_start3A_145, %dma_start3A_146] : memref<8x128xi32, #tpu.memory_space<vmem>> -> memref<1x128xi32, #tpu.memory_space<vmem>>
      %dma_start3A_148 = tpu.memref_squeeze %dma_start3A_147 : memref<1x128xi32, #tpu.memory_space<vmem>> -> memref<128xi32, #tpu.memory_space<vmem>>
      %dma_start3A_149 = arith.constant 0 : i32
      %dma_start3A_150 = arith.constant 0 : i32
      %dma_start3A_151 = tpu.memref_slice %arg15[%dma_start3A_149, %dma_start3A_150] : memref<10112x80xf32, #tpu.memory_space<vmem_shared>> -> memref<10112x80xf32, #tpu.memory_space<vmem_shared>>
      tpu.enqueue_indirect_dma source(%arg10 : memref<128x80xf32, #tpu.memory_space<vmem>>) target(%dma_start3A_151 : memref<10112x80xf32, #tpu.memory_space<vmem_shared>>) offsets(%dma_start3A_148 : memref<128xi32, #tpu.memory_space<vmem>>) semaphore(%arg23 : memref<!tpu.dma_semaphore, #tpu.memory_space<semaphore_mem>>) {add = true}
      %dma_wait3A_152 = arith.constant 0 : i32
      %dma_wait3A_153 = arith.constant 0 : i32
      %dma_wait3A_154 = tpu.memref_slice %arg12[%dma_wait3A_152, %dma_wait3A_153] : memref<8x128xi32, #tpu.memory_space<vmem>> -> memref<1x128xi32, #tpu.memory_space<vmem>>
      %dma_wait3A_155 = tpu.memref_squeeze %dma_wait3A_154 : memref<1x128xi32, #tpu.memory_space<vmem>> -> memref<128xi32, #tpu.memory_space<vmem>>
      %dma_wait3A_156 = arith.constant 0 : i32
      %dma_wait3A_157 = arith.constant 0 : i32
      %dma_wait3A_158 = tpu.memref_slice %arg15[%dma_wait3A_156, %dma_wait3A_157] : memref<10112x80xf32, #tpu.memory_space<vmem_shared>> -> memref<10112x80xf32, #tpu.memory_space<vmem_shared>>
      tpu.wait_indirect_dma semaphore(%arg21 : memref<!tpu.dma_semaphore, #tpu.memory_space<semaphore_mem>>) src(%arg8 : memref<128x80xf32, #tpu.memory_space<vmem>>) dst(%dma_wait3A_158 : memref<10112x80xf32, #tpu.memory_space<vmem_shared>>)
      %dma_start3A_159 = arith.constant 5 : i32
      %dma_start3A_160 = arith.constant 0 : i32
      %dma_start3A_161 = tpu.memref_slice %arg11[%dma_start3A_159, %dma_start3A_160] : memref<8x128xi32, #tpu.memory_space<vmem>> -> memref<1x128xi32, #tpu.memory_space<vmem>>
      %dma_start3A_162 = tpu.memref_squeeze %dma_start3A_161 : memref<1x128xi32, #tpu.memory_space<vmem>> -> memref<128xi32, #tpu.memory_space<vmem>>
      %dma_start3A_163 = arith.constant 0 : i32
      %dma_start3A_164 = arith.constant 0 : i32
      %dma_start3A_165 = tpu.memref_slice %arg2[%dma_start3A_163, %dma_start3A_164] : memref<20000x80xf32, #tpu.memory_space<hbm>> -> memref<20000x80xf32, #tpu.memory_space<hbm>>
      tpu.enqueue_indirect_dma source(%dma_start3A_165 : memref<20000x80xf32, #tpu.memory_space<hbm>>) target(%arg8 : memref<128x80xf32, #tpu.memory_space<vmem>>) offsets(%dma_start3A_162 : memref<128xi32, #tpu.memory_space<vmem>>) semaphore(%arg17 : memref<!tpu.dma_semaphore, #tpu.memory_space<semaphore_mem>>)
      %mul3A_166 = arith.constant 8 : i32
      %mul3A_167 = arith.muli %add3A_40, %mul3A_166 : i32
      %add3A_168 = arith.constant 4 : i32
      %add3A_169 = arith.addi %mul3A_167, %add3A_168 : i32
      %dma_wait3A_170 = arith.constant 0 : i32
      %dma_wait3A_171 = arith.constant 0 : i32
      %dma_wait3A_172 = tpu.memref_slice %arg11[%dma_wait3A_170, %dma_wait3A_171] : memref<8x128xi32, #tpu.memory_space<vmem>> -> memref<1x128xi32, #tpu.memory_space<vmem>>
      %dma_wait3A_173 = tpu.memref_squeeze %dma_wait3A_172 : memref<1x128xi32, #tpu.memory_space<vmem>> -> memref<128xi32, #tpu.memory_space<vmem>>
      %dma_wait3A_174 = arith.constant 0 : i32
      %dma_wait3A_175 = arith.constant 0 : i32
      %dma_wait3A_176 = tpu.memref_slice %arg2[%dma_wait3A_174, %dma_wait3A_175] : memref<20000x80xf32, #tpu.memory_space<hbm>> -> memref<20000x80xf32, #tpu.memory_space<hbm>>
      tpu.wait_indirect_dma semaphore(%arg16 : memref<!tpu.dma_semaphore, #tpu.memory_space<semaphore_mem>>) src(%dma_wait3A_176 : memref<20000x80xf32, #tpu.memory_space<hbm>>) dst(%arg7 : memref<128x80xf32, #tpu.memory_space<vmem>>)
      %dma_start3A_177 = arith.constant 4 : i32
      %dma_start3A_178 = arith.constant 0 : i32
      %dma_start3A_179 = tpu.memref_slice %arg12[%dma_start3A_177, %dma_start3A_178] : memref<8x128xi32, #tpu.memory_space<vmem>> -> memref<1x128xi32, #tpu.memory_space<vmem>>
      %dma_start3A_180 = tpu.memref_squeeze %dma_start3A_179 : memref<1x128xi32, #tpu.memory_space<vmem>> -> memref<128xi32, #tpu.memory_space<vmem>>
      %dma_start3A_181 = arith.constant 0 : i32
      %dma_start3A_182 = arith.constant 0 : i32
      %dma_start3A_183 = tpu.memref_slice %arg15[%dma_start3A_181, %dma_start3A_182] : memref<10112x80xf32, #tpu.memory_space<vmem_shared>> -> memref<10112x80xf32, #tpu.memory_space<vmem_shared>>
      tpu.enqueue_indirect_dma source(%arg7 : memref<128x80xf32, #tpu.memory_space<vmem>>) target(%dma_start3A_183 : memref<10112x80xf32, #tpu.memory_space<vmem_shared>>) offsets(%dma_start3A_180 : memref<128xi32, #tpu.memory_space<vmem>>) semaphore(%arg20 : memref<!tpu.dma_semaphore, #tpu.memory_space<semaphore_mem>>) {add = true}
      %dma_wait3A_184 = arith.constant 0 : i32
      %dma_wait3A_185 = arith.constant 0 : i32
      %dma_wait3A_186 = tpu.memref_slice %arg12[%dma_wait3A_184, %dma_wait3A_185] : memref<8x128xi32, #tpu.memory_space<vmem>> -> memref<1x128xi32, #tpu.memory_space<vmem>>
      %dma_wait3A_187 = tpu.memref_squeeze %dma_wait3A_186 : memref<1x128xi32, #tpu.memory_space<vmem>> -> memref<128xi32, #tpu.memory_space<vmem>>
      %dma_wait3A_188 = arith.constant 0 : i32
      %dma_wait3A_189 = arith.constant 0 : i32
      %dma_wait3A_190 = tpu.memref_slice %arg15[%dma_wait3A_188, %dma_wait3A_189] : memref<10112x80xf32, #tpu.memory_space<vmem_shared>> -> memref<10112x80xf32, #tpu.memory_space<vmem_shared>>
      tpu.wait_indirect_dma semaphore(%arg22 : memref<!tpu.dma_semaphore, #tpu.memory_space<semaphore_mem>>) src(%arg9 : memref<128x80xf32, #tpu.memory_space<vmem>>) dst(%dma_wait3A_190 : memref<10112x80xf32, #tpu.memory_space<vmem_shared>>)
      %dma_start3A_191 = arith.constant 6 : i32
      %dma_start3A_192 = arith.constant 0 : i32
      %dma_start3A_193 = tpu.memref_slice %arg11[%dma_start3A_191, %dma_start3A_192] : memref<8x128xi32, #tpu.memory_space<vmem>> -> memref<1x128xi32, #tpu.memory_space<vmem>>
      %dma_start3A_194 = tpu.memref_squeeze %dma_start3A_193 : memref<1x128xi32, #tpu.memory_space<vmem>> -> memref<128xi32, #tpu.memory_space<vmem>>
      %dma_start3A_195 = arith.constant 0 : i32
      %dma_start3A_196 = arith.constant 0 : i32
      %dma_start3A_197 = tpu.memref_slice %arg2[%dma_start3A_195, %dma_start3A_196] : memref<20000x80xf32, #tpu.memory_space<hbm>> -> memref<20000x80xf32, #tpu.memory_space<hbm>>
      tpu.enqueue_indirect_dma source(%dma_start3A_197 : memref<20000x80xf32, #tpu.memory_space<hbm>>) target(%arg9 : memref<128x80xf32, #tpu.memory_space<vmem>>) offsets(%dma_start3A_194 : memref<128xi32, #tpu.memory_space<vmem>>) semaphore(%arg18 : memref<!tpu.dma_semaphore, #tpu.memory_space<semaphore_mem>>)
      %mul3A_198 = arith.constant 8 : i32
      %mul3A_199 = arith.muli %add3A_40, %mul3A_198 : i32
      %add3A_200 = arith.constant 5 : i32
      %add3A_201 = arith.addi %mul3A_199, %add3A_200 : i32
      %dma_wait3A_202 = arith.constant 0 : i32
      %dma_wait3A_203 = arith.constant 0 : i32
      %dma_wait3A_204 = tpu.memref_slice %arg11[%dma_wait3A_202, %dma_wait3A_203] : memref<8x128xi32, #tpu.memory_space<vmem>> -> memref<1x128xi32, #tpu.memory_space<vmem>>
      %dma_wait3A_205 = tpu.memref_squeeze %dma_wait3A_204 : memref<1x128xi32, #tpu.memory_space<vmem>> -> memref<128xi32, #tpu.memory_space<vmem>>
      %dma_wait3A_206 = arith.constant 0 : i32
      %dma_wait3A_207 = arith.constant 0 : i32
      %dma_wait3A_208 = tpu.memref_slice %arg2[%dma_wait3A_206, %dma_wait3A_207] : memref<20000x80xf32, #tpu.memory_space<hbm>> -> memref<20000x80xf32, #tpu.memory_space<hbm>>
      tpu.wait_indirect_dma semaphore(%arg17 : memref<!tpu.dma_semaphore, #tpu.memory_space<semaphore_mem>>) src(%dma_wait3A_208 : memref<20000x80xf32, #tpu.memory_space<hbm>>) dst(%arg8 : memref<128x80xf32, #tpu.memory_space<vmem>>)
      %dma_start3A_209 = arith.constant 5 : i32
      %dma_start3A_210 = arith.constant 0 : i32
      %dma_start3A_211 = tpu.memref_slice %arg12[%dma_start3A_209, %dma_start3A_210] : memref<8x128xi32, #tpu.memory_space<vmem>> -> memref<1x128xi32, #tpu.memory_space<vmem>>
      %dma_start3A_212 = tpu.memref_squeeze %dma_start3A_211 : memref<1x128xi32, #tpu.memory_space<vmem>> -> memref<128xi32, #tpu.memory_space<vmem>>
      %dma_start3A_213 = arith.constant 0 : i32
      %dma_start3A_214 = arith.constant 0 : i32
      %dma_start3A_215 = tpu.memref_slice %arg15[%dma_start3A_213, %dma_start3A_214] : memref<10112x80xf32, #tpu.memory_space<vmem_shared>> -> memref<10112x80xf32, #tpu.memory_space<vmem_shared>>
      tpu.enqueue_indirect_dma source(%arg8 : memref<128x80xf32, #tpu.memory_space<vmem>>) target(%dma_start3A_215 : memref<10112x80xf32, #tpu.memory_space<vmem_shared>>) offsets(%dma_start3A_212 : memref<128xi32, #tpu.memory_space<vmem>>) semaphore(%arg21 : memref<!tpu.dma_semaphore, #tpu.memory_space<semaphore_mem>>) {add = true}
      %dma_wait3A_216 = arith.constant 0 : i32
      %dma_wait3A_217 = arith.constant 0 : i32
      %dma_wait3A_218 = tpu.memref_slice %arg12[%dma_wait3A_216, %dma_wait3A_217] : memref<8x128xi32, #tpu.memory_space<vmem>> -> memref<1x128xi32, #tpu.memory_space<vmem>>
      %dma_wait3A_219 = tpu.memref_squeeze %dma_wait3A_218 : memref<1x128xi32, #tpu.memory_space<vmem>> -> memref<128xi32, #tpu.memory_space<vmem>>
      %dma_wait3A_220 = arith.constant 0 : i32
      %dma_wait3A_221 = arith.constant 0 : i32
      %dma_wait3A_222 = tpu.memref_slice %arg15[%dma_wait3A_220, %dma_wait3A_221] : memref<10112x80xf32, #tpu.memory_space<vmem_shared>> -> memref<10112x80xf32, #tpu.memory_space<vmem_shared>>
      tpu.wait_indirect_dma semaphore(%arg23 : memref<!tpu.dma_semaphore, #tpu.memory_space<semaphore_mem>>) src(%arg10 : memref<128x80xf32, #tpu.memory_space<vmem>>) dst(%dma_wait3A_222 : memref<10112x80xf32, #tpu.memory_space<vmem_shared>>)
      %lt3A_223 = arith.constant 19 : i32
      %lt3A_224 = arith.cmpi slt, %add3A_40, %lt3A_223 : i32
      %convert_element_type3A_225 = arith.extui %lt3A_224 : i1 to i32
      %cond3A_226 = arith.constant 0 : i32
      %cond3A_227 = arith.cmpi ne, %convert_element_type3A_225, %cond3A_226 : i32
      scf.if %cond3A_227 {
        %dma_wait3A_561 = arith.constant 0 : i32
        %dma_wait3A_562 = arith.constant 0 : i32
        %dma_wait3A_563 = arith.constant 0 : i32
        %dma_wait3A_564 = arith.constant 0 : i32
        %dma_wait3A_565 = arith.constant 0 : i32
        %dma_wait3A_566 = tpu.memref_slice %arg3[%dma_wait3A_561, %dma_wait3A_562, %dma_wait3A_563, %dma_wait3A_564, %dma_wait3A_565] : memref<2x16x20x8x128xi32, #tpu.memory_space<hbm>> -> memref<1x1x1x8x128xi32, #tpu.memory_space<hbm>>
        %dma_wait3A_567 = tpu.memref_squeeze %dma_wait3A_566 : memref<1x1x1x8x128xi32, #tpu.memory_space<hbm>> -> memref<8x128xi32, #tpu.memory_space<hbm>>
        %dma_wait3A_568 = arith.constant 0 : i32
        %dma_wait3A_569 = arith.constant 0 : i32
        %dma_wait3A_570 = tpu.memref_slice %arg3[%dma_wait3A_561, %dma_wait3A_562, %dma_wait3A_563, %dma_wait3A_568, %dma_wait3A_569] : memref<2x16x20x8x128xi32, #tpu.memory_space<hbm>> -> memref<1x1x1x8x128xi32, #tpu.memory_space<hbm>>
        %dma_wait3A_571 = tpu.memref_squeeze %dma_wait3A_570 : memref<1x1x1x8x128xi32, #tpu.memory_space<hbm>> -> memref<8x128xi32, #tpu.memory_space<hbm>>
        tpu.wait_dma2 semaphore(%arg24 : memref<!tpu.dma_semaphore, #tpu.memory_space<semaphore_mem>>) src(%dma_wait3A_571 : memref<8x128xi32, #tpu.memory_space<hbm>>) dst(%arg11 : memref<8x128xi32, #tpu.memory_space<vmem>>)
        %dma_wait3A_572 = arith.constant 0 : i32
        %dma_wait3A_573 = arith.constant 0 : i32
        %dma_wait3A_574 = arith.constant 0 : i32
        %dma_wait3A_575 = arith.constant 0 : i32
        %dma_wait3A_576 = tpu.memref_slice %arg4[%dma_wait3A_572, %dma_wait3A_573, %dma_wait3A_574, %dma_wait3A_575] : memref<16x20x8x128xi32, #tpu.memory_space<hbm>> -> memref<1x1x8x128xi32, #tpu.memory_space<hbm>>
        %dma_wait3A_577 = tpu.memref_squeeze %dma_wait3A_576 : memref<1x1x8x128xi32, #tpu.memory_space<hbm>> -> memref<8x128xi32, #tpu.memory_space<hbm>>
        %dma_wait3A_578 = arith.constant 0 : i32
        %dma_wait3A_579 = arith.constant 0 : i32
        %dma_wait3A_580 = tpu.memref_slice %arg4[%dma_wait3A_572, %dma_wait3A_573, %dma_wait3A_578, %dma_wait3A_579] : memref<16x20x8x128xi32, #tpu.memory_space<hbm>> -> memref<1x1x8x128xi32, #tpu.memory_space<hbm>>
        %dma_wait3A_581 = tpu.memref_squeeze %dma_wait3A_580 : memref<1x1x8x128xi32, #tpu.memory_space<hbm>> -> memref<8x128xi32, #tpu.memory_space<hbm>>
        tpu.wait_dma2 semaphore(%arg24 : memref<!tpu.dma_semaphore, #tpu.memory_space<semaphore_mem>>) src(%dma_wait3A_581 : memref<8x128xi32, #tpu.memory_space<hbm>>) dst(%arg12 : memref<8x128xi32, #tpu.memory_space<vmem>>)
      } else {
      }
      %dma_start3A_228 = arith.constant 7 : i32
      %dma_start3A_229 = arith.constant 0 : i32
      %dma_start3A_230 = tpu.memref_slice %arg11[%dma_start3A_228, %dma_start3A_229] : memref<8x128xi32, #tpu.memory_space<vmem>> -> memref<1x128xi32, #tpu.memory_space<vmem>>
      %dma_start3A_231 = tpu.memref_squeeze %dma_start3A_230 : memref<1x128xi32, #tpu.memory_space<vmem>> -> memref<128xi32, #tpu.memory_space<vmem>>
      %dma_start3A_232 = arith.constant 0 : i32
      %dma_start3A_233 = arith.constant 0 : i32
      %dma_start3A_234 = tpu.memref_slice %arg2[%dma_start3A_232, %dma_start3A_233] : memref<20000x80xf32, #tpu.memory_space<hbm>> -> memref<20000x80xf32, #tpu.memory_space<hbm>>
      tpu.enqueue_indirect_dma source(%dma_start3A_234 : memref<20000x80xf32, #tpu.memory_space<hbm>>) target(%arg10 : memref<128x80xf32, #tpu.memory_space<vmem>>) offsets(%dma_start3A_231 : memref<128xi32, #tpu.memory_space<vmem>>) semaphore(%arg19 : memref<!tpu.dma_semaphore, #tpu.memory_space<semaphore_mem>>)
      %mul3A_235 = arith.constant 8 : i32
      %mul3A_236 = arith.muli %add3A_40, %mul3A_235 : i32
      %add3A_237 = arith.constant 6 : i32
      %add3A_238 = arith.addi %mul3A_236, %add3A_237 : i32
      %dma_wait3A_239 = arith.constant 0 : i32
      %dma_wait3A_240 = arith.constant 0 : i32
      %dma_wait3A_241 = tpu.memref_slice %arg11[%dma_wait3A_239, %dma_wait3A_240] : memref<8x128xi32, #tpu.memory_space<vmem>> -> memref<1x128xi32, #tpu.memory_space<vmem>>
      %dma_wait3A_242 = tpu.memref_squeeze %dma_wait3A_241 : memref<1x128xi32, #tpu.memory_space<vmem>> -> memref<128xi32, #tpu.memory_space<vmem>>
      %dma_wait3A_243 = arith.constant 0 : i32
      %dma_wait3A_244 = arith.constant 0 : i32
      %dma_wait3A_245 = tpu.memref_slice %arg2[%dma_wait3A_243, %dma_wait3A_244] : memref<20000x80xf32, #tpu.memory_space<hbm>> -> memref<20000x80xf32, #tpu.memory_space<hbm>>
      tpu.wait_indirect_dma semaphore(%arg18 : memref<!tpu.dma_semaphore, #tpu.memory_space<semaphore_mem>>) src(%dma_wait3A_245 : memref<20000x80xf32, #tpu.memory_space<hbm>>) dst(%arg9 : memref<128x80xf32, #tpu.memory_space<vmem>>)
      %dma_start3A_246 = arith.constant 6 : i32
      %dma_start3A_247 = arith.constant 0 : i32
      %dma_start3A_248 = tpu.memref_slice %arg12[%dma_start3A_246, %dma_start3A_247] : memref<8x128xi32, #tpu.memory_space<vmem>> -> memref<1x128xi32, #tpu.memory_space<vmem>>
      %dma_start3A_249 = tpu.memref_squeeze %dma_start3A_248 : memref<1x128xi32, #tpu.memory_space<vmem>> -> memref<128xi32, #tpu.memory_space<vmem>>
      %dma_start3A_250 = arith.constant 0 : i32
      %dma_start3A_251 = arith.constant 0 : i32
      %dma_start3A_252 = tpu.memref_slice %arg15[%dma_start3A_250, %dma_start3A_251] : memref<10112x80xf32, #tpu.memory_space<vmem_shared>> -> memref<10112x80xf32, #tpu.memory_space<vmem_shared>>
      tpu.enqueue_indirect_dma source(%arg9 : memref<128x80xf32, #tpu.memory_space<vmem>>) target(%dma_start3A_252 : memref<10112x80xf32, #tpu.memory_space<vmem_shared>>) offsets(%dma_start3A_249 : memref<128xi32, #tpu.memory_space<vmem>>) semaphore(%arg22 : memref<!tpu.dma_semaphore, #tpu.memory_space<semaphore_mem>>) {add = true}
      %dma_wait3A_253 = arith.constant 0 : i32
      %dma_wait3A_254 = arith.constant 0 : i32
      %dma_wait3A_255 = tpu.memref_slice %arg12[%dma_wait3A_253, %dma_wait3A_254] : memref<8x128xi32, #tpu.memory_space<vmem>> -> memref<1x128xi32, #tpu.memory_space<vmem>>
      %dma_wait3A_256 = tpu.memref_squeeze %dma_wait3A_255 : memref<1x128xi32, #tpu.memory_space<vmem>> -> memref<128xi32, #tpu.memory_space<vmem>>
      %dma_wait3A_257 = arith.constant 0 : i32
      %dma_wait3A_258 = arith.constant 0 : i32
      %dma_wait3A_259 = tpu.memref_slice %arg15[%dma_wait3A_257, %dma_wait3A_258] : memref<10112x80xf32, #tpu.memory_space<vmem_shared>> -> memref<10112x80xf32, #tpu.memory_space<vmem_shared>>
      tpu.wait_indirect_dma semaphore(%arg20 : memref<!tpu.dma_semaphore, #tpu.memory_space<semaphore_mem>>) src(%arg7 : memref<128x80xf32, #tpu.memory_space<vmem>>) dst(%dma_wait3A_259 : memref<10112x80xf32, #tpu.memory_space<vmem_shared>>)
      %lt3A_260 = arith.constant 19 : i32
      %lt3A_261 = arith.cmpi slt, %add3A_40, %lt3A_260 : i32
      %convert_element_type3A_262 = arith.extui %lt3A_261 : i1 to i32
      %cond3A_263 = arith.constant 0 : i32
      %cond3A_264 = arith.cmpi ne, %convert_element_type3A_262, %cond3A_263 : i32
      scf.if %cond3A_264 {
        %dma_start3A_561 = arith.constant 0 : i32
        %dma_start3A_562 = arith.constant 0 : i32
        %dma_start3A_563 = tpu.memref_slice %arg13[%dma_start3A_561, %dma_start3A_562] : memref<8x128xi32, #tpu.memory_space<vmem>> -> memref<1x128xi32, #tpu.memory_space<vmem>>
        %dma_start3A_564 = tpu.memref_squeeze %dma_start3A_563 : memref<1x128xi32, #tpu.memory_space<vmem>> -> memref<128xi32, #tpu.memory_space<vmem>>
        %dma_start3A_565 = arith.constant 0 : i32
        %dma_start3A_566 = arith.constant 0 : i32
        %dma_start3A_567 = tpu.memref_slice %arg2[%dma_start3A_565, %dma_start3A_566] : memref<20000x80xf32, #tpu.memory_space<hbm>> -> memref<20000x80xf32, #tpu.memory_space<hbm>>
        tpu.enqueue_indirect_dma source(%dma_start3A_567 : memref<20000x80xf32, #tpu.memory_space<hbm>>) target(%arg7 : memref<128x80xf32, #tpu.memory_space<vmem>>) offsets(%dma_start3A_564 : memref<128xi32, #tpu.memory_space<vmem>>) semaphore(%arg16 : memref<!tpu.dma_semaphore, #tpu.memory_space<semaphore_mem>>)
      } else {
      }
      %mul3A_265 = arith.constant 8 : i32
      %mul3A_266 = arith.muli %add3A_40, %mul3A_265 : i32
      %add3A_267 = arith.constant 7 : i32
      %add3A_268 = arith.addi %mul3A_266, %add3A_267 : i32
      %dma_wait3A_269 = arith.constant 0 : i32
      %dma_wait3A_270 = arith.constant 0 : i32
      %dma_wait3A_271 = tpu.memref_slice %arg11[%dma_wait3A_269, %dma_wait3A_270] : memref<8x128xi32, #tpu.memory_space<vmem>> -> memref<1x128xi32, #tpu.memory_space<vmem>>
      %dma_wait3A_272 = tpu.memref_squeeze %dma_wait3A_271 : memref<1x128xi32, #tpu.memory_space<vmem>> -> memref<128xi32, #tpu.memory_space<vmem>>
      %dma_wait3A_273 = arith.constant 0 : i32
      %dma_wait3A_274 = arith.constant 0 : i32
      %dma_wait3A_275 = tpu.memref_slice %arg2[%dma_wait3A_273, %dma_wait3A_274] : memref<20000x80xf32, #tpu.memory_space<hbm>> -> memref<20000x80xf32, #tpu.memory_space<hbm>>
      tpu.wait_indirect_dma semaphore(%arg19 : memref<!tpu.dma_semaphore, #tpu.memory_space<semaphore_mem>>) src(%dma_wait3A_275 : memref<20000x80xf32, #tpu.memory_space<hbm>>) dst(%arg10 : memref<128x80xf32, #tpu.memory_space<vmem>>)
      %dma_start3A_276 = arith.constant 7 : i32
      %dma_start3A_277 = arith.constant 0 : i32
      %dma_start3A_278 = tpu.memref_slice %arg12[%dma_start3A_276, %dma_start3A_277] : memref<8x128xi32, #tpu.memory_space<vmem>> -> memref<1x128xi32, #tpu.memory_space<vmem>>
      %dma_start3A_279 = tpu.memref_squeeze %dma_start3A_278 : memref<1x128xi32, #tpu.memory_space<vmem>> -> memref<128xi32, #tpu.memory_space<vmem>>
      %dma_start3A_280 = arith.constant 0 : i32
      %dma_start3A_281 = arith.constant 0 : i32
      %dma_start3A_282 = tpu.memref_slice %arg15[%dma_start3A_280, %dma_start3A_281] : memref<10112x80xf32, #tpu.memory_space<vmem_shared>> -> memref<10112x80xf32, #tpu.memory_space<vmem_shared>>
      tpu.enqueue_indirect_dma source(%arg10 : memref<128x80xf32, #tpu.memory_space<vmem>>) target(%dma_start3A_282 : memref<10112x80xf32, #tpu.memory_space<vmem_shared>>) offsets(%dma_start3A_279 : memref<128xi32, #tpu.memory_space<vmem>>) semaphore(%arg23 : memref<!tpu.dma_semaphore, #tpu.memory_space<semaphore_mem>>) {add = true}
      %dma_wait3A_283 = arith.constant 0 : i32
      %dma_wait3A_284 = arith.constant 0 : i32
      %dma_wait3A_285 = tpu.memref_slice %arg12[%dma_wait3A_283, %dma_wait3A_284] : memref<8x128xi32, #tpu.memory_space<vmem>> -> memref<1x128xi32, #tpu.memory_space<vmem>>
      %dma_wait3A_286 = tpu.memref_squeeze %dma_wait3A_285 : memref<1x128xi32, #tpu.memory_space<vmem>> -> memref<128xi32, #tpu.memory_space<vmem>>
      %dma_wait3A_287 = arith.constant 0 : i32
      %dma_wait3A_288 = arith.constant 0 : i32
      %dma_wait3A_289 = tpu.memref_slice %arg15[%dma_wait3A_287, %dma_wait3A_288] : memref<10112x80xf32, #tpu.memory_space<vmem_shared>> -> memref<10112x80xf32, #tpu.memory_space<vmem_shared>>
      tpu.wait_indirect_dma semaphore(%arg21 : memref<!tpu.dma_semaphore, #tpu.memory_space<semaphore_mem>>) src(%arg8 : memref<128x80xf32, #tpu.memory_space<vmem>>) dst(%dma_wait3A_289 : memref<10112x80xf32, #tpu.memory_space<vmem_shared>>)
      %lt3A_290 = arith.constant 19 : i32
      %lt3A_291 = arith.cmpi slt, %add3A_40, %lt3A_290 : i32
      %convert_element_type3A_292 = arith.extui %lt3A_291 : i1 to i32
      %cond3A_293 = arith.constant 0 : i32
      %cond3A_294 = arith.cmpi ne, %convert_element_type3A_292, %cond3A_293 : i32
      scf.if %cond3A_294 {
        %dma_start3A_561 = arith.constant 1 : i32
        %dma_start3A_562 = arith.constant 0 : i32
        %dma_start3A_563 = tpu.memref_slice %arg13[%dma_start3A_561, %dma_start3A_562] : memref<8x128xi32, #tpu.memory_space<vmem>> -> memref<1x128xi32, #tpu.memory_space<vmem>>
        %dma_start3A_564 = tpu.memref_squeeze %dma_start3A_563 : memref<1x128xi32, #tpu.memory_space<vmem>> -> memref<128xi32, #tpu.memory_space<vmem>>
        %dma_start3A_565 = arith.constant 0 : i32
        %dma_start3A_566 = arith.constant 0 : i32
        %dma_start3A_567 = tpu.memref_slice %arg2[%dma_start3A_565, %dma_start3A_566] : memref<20000x80xf32, #tpu.memory_space<hbm>> -> memref<20000x80xf32, #tpu.memory_space<hbm>>
        tpu.enqueue_indirect_dma source(%dma_start3A_567 : memref<20000x80xf32, #tpu.memory_space<hbm>>) target(%arg8 : memref<128x80xf32, #tpu.memory_space<vmem>>) offsets(%dma_start3A_564 : memref<128xi32, #tpu.memory_space<vmem>>) semaphore(%arg17 : memref<!tpu.dma_semaphore, #tpu.memory_space<semaphore_mem>>)
      } else {
      }
      %mul3A_295 = arith.constant 2 : i32
      %mul3A_296 = arith.muli %add3A_36, %mul3A_295 : i32
      %add3A_297 = arith.constant 1 : i32
      %add3A_298 = arith.addi %mul3A_296, %add3A_297 : i32
      %mul3A_299 = arith.constant 8 : i32
      %mul3A_300 = arith.muli %add3A_298, %mul3A_299 : i32
      %add3A_301 = arith.constant 0 : i32
      %add3A_302 = arith.addi %mul3A_300, %add3A_301 : i32
      %dma_wait3A_303 = arith.constant 0 : i32
      %dma_wait3A_304 = arith.constant 0 : i32
      %dma_wait3A_305 = tpu.memref_slice %arg11[%dma_wait3A_303, %dma_wait3A_304] : memref<8x128xi32, #tpu.memory_space<vmem>> -> memref<1x128xi32, #tpu.memory_space<vmem>>
      %dma_wait3A_306 = tpu.memref_squeeze %dma_wait3A_305 : memref<1x128xi32, #tpu.memory_space<vmem>> -> memref<128xi32, #tpu.memory_space<vmem>>
      %dma_wait3A_307 = arith.constant 0 : i32
      %dma_wait3A_308 = arith.constant 0 : i32
      %dma_wait3A_309 = tpu.memref_slice %arg2[%dma_wait3A_307, %dma_wait3A_308] : memref<20000x80xf32, #tpu.memory_space<hbm>> -> memref<20000x80xf32, #tpu.memory_space<hbm>>
      tpu.wait_indirect_dma semaphore(%arg16 : memref<!tpu.dma_semaphore, #tpu.memory_space<semaphore_mem>>) src(%dma_wait3A_309 : memref<20000x80xf32, #tpu.memory_space<hbm>>) dst(%arg7 : memref<128x80xf32, #tpu.memory_space<vmem>>)
      %dma_start3A_310 = arith.constant 0 : i32
      %dma_start3A_311 = arith.constant 0 : i32
      %dma_start3A_312 = tpu.memref_slice %arg14[%dma_start3A_310, %dma_start3A_311] : memref<8x128xi32, #tpu.memory_space<vmem>> -> memref<1x128xi32, #tpu.memory_space<vmem>>
      %dma_start3A_313 = tpu.memref_squeeze %dma_start3A_312 : memref<1x128xi32, #tpu.memory_space<vmem>> -> memref<128xi32, #tpu.memory_space<vmem>>
      %dma_start3A_314 = arith.constant 0 : i32
      %dma_start3A_315 = arith.constant 0 : i32
      %dma_start3A_316 = tpu.memref_slice %arg15[%dma_start3A_314, %dma_start3A_315] : memref<10112x80xf32, #tpu.memory_space<vmem_shared>> -> memref<10112x80xf32, #tpu.memory_space<vmem_shared>>
      tpu.enqueue_indirect_dma source(%arg7 : memref<128x80xf32, #tpu.memory_space<vmem>>) target(%dma_start3A_316 : memref<10112x80xf32, #tpu.memory_space<vmem_shared>>) offsets(%dma_start3A_313 : memref<128xi32, #tpu.memory_space<vmem>>) semaphore(%arg20 : memref<!tpu.dma_semaphore, #tpu.memory_space<semaphore_mem>>) {add = true}
      %dma_wait3A_317 = arith.constant 0 : i32
      %dma_wait3A_318 = arith.constant 0 : i32
      %dma_wait3A_319 = tpu.memref_slice %arg12[%dma_wait3A_317, %dma_wait3A_318] : memref<8x128xi32, #tpu.memory_space<vmem>> -> memref<1x128xi32, #tpu.memory_space<vmem>>
      %dma_wait3A_320 = tpu.memref_squeeze %dma_wait3A_319 : memref<1x128xi32, #tpu.memory_space<vmem>> -> memref<128xi32, #tpu.memory_space<vmem>>
      %dma_wait3A_321 = arith.constant 0 : i32
      %dma_wait3A_322 = arith.constant 0 : i32
      %dma_wait3A_323 = tpu.memref_slice %arg15[%dma_wait3A_321, %dma_wait3A_322] : memref<10112x80xf32, #tpu.memory_space<vmem_shared>> -> memref<10112x80xf32, #tpu.memory_space<vmem_shared>>
      tpu.wait_indirect_dma semaphore(%arg22 : memref<!tpu.dma_semaphore, #tpu.memory_space<semaphore_mem>>) src(%arg9 : memref<128x80xf32, #tpu.memory_space<vmem>>) dst(%dma_wait3A_323 : memref<10112x80xf32, #tpu.memory_space<vmem_shared>>)
      %dma_start3A_324 = arith.constant 2 : i32
      %dma_start3A_325 = arith.constant 0 : i32
      %dma_start3A_326 = tpu.memref_slice %arg13[%dma_start3A_324, %dma_start3A_325] : memref<8x128xi32, #tpu.memory_space<vmem>> -> memref<1x128xi32, #tpu.memory_space<vmem>>
      %dma_start3A_327 = tpu.memref_squeeze %dma_start3A_326 : memref<1x128xi32, #tpu.memory_space<vmem>> -> memref<128xi32, #tpu.memory_space<vmem>>
      %dma_start3A_328 = arith.constant 0 : i32
      %dma_start3A_329 = arith.constant 0 : i32
      %dma_start3A_330 = tpu.memref_slice %arg2[%dma_start3A_328, %dma_start3A_329] : memref<20000x80xf32, #tpu.memory_space<hbm>> -> memref<20000x80xf32, #tpu.memory_space<hbm>>
      tpu.enqueue_indirect_dma source(%dma_start3A_330 : memref<20000x80xf32, #tpu.memory_space<hbm>>) target(%arg9 : memref<128x80xf32, #tpu.memory_space<vmem>>) offsets(%dma_start3A_327 : memref<128xi32, #tpu.memory_space<vmem>>) semaphore(%arg18 : memref<!tpu.dma_semaphore, #tpu.memory_space<semaphore_mem>>)
      %mul3A_331 = arith.constant 8 : i32
      %mul3A_332 = arith.muli %add3A_298, %mul3A_331 : i32
      %add3A_333 = arith.constant 1 : i32
      %add3A_334 = arith.addi %mul3A_332, %add3A_333 : i32
      %dma_wait3A_335 = arith.constant 0 : i32
      %dma_wait3A_336 = arith.constant 0 : i32
      %dma_wait3A_337 = tpu.memref_slice %arg11[%dma_wait3A_335, %dma_wait3A_336] : memref<8x128xi32, #tpu.memory_space<vmem>> -> memref<1x128xi32, #tpu.memory_space<vmem>>
      %dma_wait3A_338 = tpu.memref_squeeze %dma_wait3A_337 : memref<1x128xi32, #tpu.memory_space<vmem>> -> memref<128xi32, #tpu.memory_space<vmem>>
      %dma_wait3A_339 = arith.constant 0 : i32
      %dma_wait3A_340 = arith.constant 0 : i32
      %dma_wait3A_341 = tpu.memref_slice %arg2[%dma_wait3A_339, %dma_wait3A_340] : memref<20000x80xf32, #tpu.memory_space<hbm>> -> memref<20000x80xf32, #tpu.memory_space<hbm>>
      tpu.wait_indirect_dma semaphore(%arg17 : memref<!tpu.dma_semaphore, #tpu.memory_space<semaphore_mem>>) src(%dma_wait3A_341 : memref<20000x80xf32, #tpu.memory_space<hbm>>) dst(%arg8 : memref<128x80xf32, #tpu.memory_space<vmem>>)
      %dma_start3A_342 = arith.constant 1 : i32
      %dma_start3A_343 = arith.constant 0 : i32
      %dma_start3A_344 = tpu.memref_slice %arg14[%dma_start3A_342, %dma_start3A_343] : memref<8x128xi32, #tpu.memory_space<vmem>> -> memref<1x128xi32, #tpu.memory_space<vmem>>
      %dma_start3A_345 = tpu.memref_squeeze %dma_start3A_344 : memref<1x128xi32, #tpu.memory_space<vmem>> -> memref<128xi32, #tpu.memory_space<vmem>>
      %dma_start3A_346 = arith.constant 0 : i32
      %dma_start3A_347 = arith.constant 0 : i32
      %dma_start3A_348 = tpu.memref_slice %arg15[%dma_start3A_346, %dma_start3A_347] : memref<10112x80xf32, #tpu.memory_space<vmem_shared>> -> memref<10112x80xf32, #tpu.memory_space<vmem_shared>>
      tpu.enqueue_indirect_dma source(%arg8 : memref<128x80xf32, #tpu.memory_space<vmem>>) target(%dma_start3A_348 : memref<10112x80xf32, #tpu.memory_space<vmem_shared>>) offsets(%dma_start3A_345 : memref<128xi32, #tpu.memory_space<vmem>>) semaphore(%arg21 : memref<!tpu.dma_semaphore, #tpu.memory_space<semaphore_mem>>) {add = true}
      %dma_wait3A_349 = arith.constant 0 : i32
      %dma_wait3A_350 = arith.constant 0 : i32
      %dma_wait3A_351 = tpu.memref_slice %arg12[%dma_wait3A_349, %dma_wait3A_350] : memref<8x128xi32, #tpu.memory_space<vmem>> -> memref<1x128xi32, #tpu.memory_space<vmem>>
      %dma_wait3A_352 = tpu.memref_squeeze %dma_wait3A_351 : memref<1x128xi32, #tpu.memory_space<vmem>> -> memref<128xi32, #tpu.memory_space<vmem>>
      %dma_wait3A_353 = arith.constant 0 : i32
      %dma_wait3A_354 = arith.constant 0 : i32
      %dma_wait3A_355 = tpu.memref_slice %arg15[%dma_wait3A_353, %dma_wait3A_354] : memref<10112x80xf32, #tpu.memory_space<vmem_shared>> -> memref<10112x80xf32, #tpu.memory_space<vmem_shared>>
      tpu.wait_indirect_dma semaphore(%arg23 : memref<!tpu.dma_semaphore, #tpu.memory_space<semaphore_mem>>) src(%arg10 : memref<128x80xf32, #tpu.memory_space<vmem>>) dst(%dma_wait3A_355 : memref<10112x80xf32, #tpu.memory_space<vmem_shared>>)
      %dma_start3A_356 = arith.constant 3 : i32
      %dma_start3A_357 = arith.constant 0 : i32
      %dma_start3A_358 = tpu.memref_slice %arg13[%dma_start3A_356, %dma_start3A_357] : memref<8x128xi32, #tpu.memory_space<vmem>> -> memref<1x128xi32, #tpu.memory_space<vmem>>
      %dma_start3A_359 = tpu.memref_squeeze %dma_start3A_358 : memref<1x128xi32, #tpu.memory_space<vmem>> -> memref<128xi32, #tpu.memory_space<vmem>>
      %dma_start3A_360 = arith.constant 0 : i32
      %dma_start3A_361 = arith.constant 0 : i32
      %dma_start3A_362 = tpu.memref_slice %arg2[%dma_start3A_360, %dma_start3A_361] : memref<20000x80xf32, #tpu.memory_space<hbm>> -> memref<20000x80xf32, #tpu.memory_space<hbm>>
      tpu.enqueue_indirect_dma source(%dma_start3A_362 : memref<20000x80xf32, #tpu.memory_space<hbm>>) target(%arg10 : memref<128x80xf32, #tpu.memory_space<vmem>>) offsets(%dma_start3A_359 : memref<128xi32, #tpu.memory_space<vmem>>) semaphore(%arg19 : memref<!tpu.dma_semaphore, #tpu.memory_space<semaphore_mem>>)
      %mul3A_363 = arith.constant 8 : i32
      %mul3A_364 = arith.muli %add3A_298, %mul3A_363 : i32
      %add3A_365 = arith.constant 2 : i32
      %add3A_366 = arith.addi %mul3A_364, %add3A_365 : i32
      %dma_wait3A_367 = arith.constant 0 : i32
      %dma_wait3A_368 = arith.constant 0 : i32
      %dma_wait3A_369 = tpu.memref_slice %arg11[%dma_wait3A_367, %dma_wait3A_368] : memref<8x128xi32, #tpu.memory_space<vmem>> -> memref<1x128xi32, #tpu.memory_space<vmem>>
      %dma_wait3A_370 = tpu.memref_squeeze %dma_wait3A_369 : memref<1x128xi32, #tpu.memory_space<vmem>> -> memref<128xi32, #tpu.memory_space<vmem>>
      %dma_wait3A_371 = arith.constant 0 : i32
      %dma_wait3A_372 = arith.constant 0 : i32
      %dma_wait3A_373 = tpu.memref_slice %arg2[%dma_wait3A_371, %dma_wait3A_372] : memref<20000x80xf32, #tpu.memory_space<hbm>> -> memref<20000x80xf32, #tpu.memory_space<hbm>>
      tpu.wait_indirect_dma semaphore(%arg18 : memref<!tpu.dma_semaphore, #tpu.memory_space<semaphore_mem>>) src(%dma_wait3A_373 : memref<20000x80xf32, #tpu.memory_space<hbm>>) dst(%arg9 : memref<128x80xf32, #tpu.memory_space<vmem>>)
      %dma_start3A_374 = arith.constant 2 : i32
      %dma_start3A_375 = arith.constant 0 : i32
      %dma_start3A_376 = tpu.memref_slice %arg14[%dma_start3A_374, %dma_start3A_375] : memref<8x128xi32, #tpu.memory_space<vmem>> -> memref<1x128xi32, #tpu.memory_space<vmem>>
      %dma_start3A_377 = tpu.memref_squeeze %dma_start3A_376 : memref<1x128xi32, #tpu.memory_space<vmem>> -> memref<128xi32, #tpu.memory_space<vmem>>
      %dma_start3A_378 = arith.constant 0 : i32
      %dma_start3A_379 = arith.constant 0 : i32
      %dma_start3A_380 = tpu.memref_slice %arg15[%dma_start3A_378, %dma_start3A_379] : memref<10112x80xf32, #tpu.memory_space<vmem_shared>> -> memref<10112x80xf32, #tpu.memory_space<vmem_shared>>
      tpu.enqueue_indirect_dma source(%arg9 : memref<128x80xf32, #tpu.memory_space<vmem>>) target(%dma_start3A_380 : memref<10112x80xf32, #tpu.memory_space<vmem_shared>>) offsets(%dma_start3A_377 : memref<128xi32, #tpu.memory_space<vmem>>) semaphore(%arg22 : memref<!tpu.dma_semaphore, #tpu.memory_space<semaphore_mem>>) {add = true}
      %dma_wait3A_381 = arith.constant 0 : i32
      %dma_wait3A_382 = arith.constant 0 : i32
      %dma_wait3A_383 = tpu.memref_slice %arg12[%dma_wait3A_381, %dma_wait3A_382] : memref<8x128xi32, #tpu.memory_space<vmem>> -> memref<1x128xi32, #tpu.memory_space<vmem>>
      %dma_wait3A_384 = tpu.memref_squeeze %dma_wait3A_383 : memref<1x128xi32, #tpu.memory_space<vmem>> -> memref<128xi32, #tpu.memory_space<vmem>>
      %dma_wait3A_385 = arith.constant 0 : i32
      %dma_wait3A_386 = arith.constant 0 : i32
      %dma_wait3A_387 = tpu.memref_slice %arg15[%dma_wait3A_385, %dma_wait3A_386] : memref<10112x80xf32, #tpu.memory_space<vmem_shared>> -> memref<10112x80xf32, #tpu.memory_space<vmem_shared>>
      tpu.wait_indirect_dma semaphore(%arg20 : memref<!tpu.dma_semaphore, #tpu.memory_space<semaphore_mem>>) src(%arg7 : memref<128x80xf32, #tpu.memory_space<vmem>>) dst(%dma_wait3A_387 : memref<10112x80xf32, #tpu.memory_space<vmem_shared>>)
      %lt3A_388 = arith.constant 19 : i32
      %lt3A_389 = arith.cmpi slt, %add3A_298, %lt3A_388 : i32
      %convert_element_type3A_390 = arith.extui %lt3A_389 : i1 to i32
      %cond3A_391 = arith.constant 0 : i32
      %cond3A_392 = arith.cmpi ne, %convert_element_type3A_390, %cond3A_391 : i32
      scf.if %cond3A_392 {
        %add3A_561 = arith.constant 1 : i32
        %add3A_562 = arith.addi %add3A_298, %add3A_561 : i32
        %dma_start3A_563 = arith.constant 0 : i32
        %dma_start3A_564 = arith.constant 0 : i32
        %dma_start3A_565 = tpu.memref_slice %arg3[%arg0, %arg1, %add3A_562, %dma_start3A_563, %dma_start3A_564] : memref<2x16x20x8x128xi32, #tpu.memory_space<hbm>> -> memref<1x1x1x8x128xi32, #tpu.memory_space<hbm>>
        %dma_start3A_566 = tpu.memref_squeeze %dma_start3A_565 : memref<1x1x1x8x128xi32, #tpu.memory_space<hbm>> -> memref<8x128xi32, #tpu.memory_space<hbm>>
        %dma_start3A_567 = arith.constant 0 : i32
        %dma_start3A_568 = arith.constant 0 : i32
        %dma_start3A_569 = tpu.memref_slice %arg3[%arg0, %arg1, %add3A_562, %dma_start3A_567, %dma_start3A_568] : memref<2x16x20x8x128xi32, #tpu.memory_space<hbm>> -> memref<1x1x1x8x128xi32, #tpu.memory_space<hbm>>
        %dma_start3A_570 = tpu.memref_squeeze %dma_start3A_569 : memref<1x1x1x8x128xi32, #tpu.memory_space<hbm>> -> memref<8x128xi32, #tpu.memory_space<hbm>>
        tpu.enqueue_dma source(%dma_start3A_570 : memref<8x128xi32, #tpu.memory_space<hbm>>) target(%arg11 : memref<8x128xi32, #tpu.memory_space<vmem>>) target_semaphore(%arg24 : memref<!tpu.dma_semaphore, #tpu.memory_space<semaphore_mem>>)
        %add3A_571 = arith.constant 1 : i32
        %add3A_572 = arith.addi %add3A_298, %add3A_571 : i32
        %dma_start3A_573 = arith.constant 0 : i32
        %dma_start3A_574 = arith.constant 0 : i32
        %dma_start3A_575 = tpu.memref_slice %arg4[%arg1, %add3A_572, %dma_start3A_573, %dma_start3A_574] : memref<16x20x8x128xi32, #tpu.memory_space<hbm>> -> memref<1x1x8x128xi32, #tpu.memory_space<hbm>>
        %dma_start3A_576 = tpu.memref_squeeze %dma_start3A_575 : memref<1x1x8x128xi32, #tpu.memory_space<hbm>> -> memref<8x128xi32, #tpu.memory_space<hbm>>
        %dma_start3A_577 = arith.constant 0 : i32
        %dma_start3A_578 = arith.constant 0 : i32
        %dma_start3A_579 = tpu.memref_slice %arg4[%arg1, %add3A_572, %dma_start3A_577, %dma_start3A_578] : memref<16x20x8x128xi32, #tpu.memory_space<hbm>> -> memref<1x1x8x128xi32, #tpu.memory_space<hbm>>
        %dma_start3A_580 = tpu.memref_squeeze %dma_start3A_579 : memref<1x1x8x128xi32, #tpu.memory_space<hbm>> -> memref<8x128xi32, #tpu.memory_space<hbm>>
        tpu.enqueue_dma source(%dma_start3A_580 : memref<8x128xi32, #tpu.memory_space<hbm>>) target(%arg12 : memref<8x128xi32, #tpu.memory_space<vmem>>) target_semaphore(%arg24 : memref<!tpu.dma_semaphore, #tpu.memory_space<semaphore_mem>>)
      } else {
      }
      %dma_start3A_393 = arith.constant 4 : i32
      %dma_start3A_394 = arith.constant 0 : i32
      %dma_start3A_395 = tpu.memref_slice %arg13[%dma_start3A_393, %dma_start3A_394] : memref<8x128xi32, #tpu.memory_space<vmem>> -> memref<1x128xi32, #tpu.memory_space<vmem>>
      %dma_start3A_396 = tpu.memref_squeeze %dma_start3A_395 : memref<1x128xi32, #tpu.memory_space<vmem>> -> memref<128xi32, #tpu.memory_space<vmem>>
      %dma_start3A_397 = arith.constant 0 : i32
      %dma_start3A_398 = arith.constant 0 : i32
      %dma_start3A_399 = tpu.memref_slice %arg2[%dma_start3A_397, %dma_start3A_398] : memref<20000x80xf32, #tpu.memory_space<hbm>> -> memref<20000x80xf32, #tpu.memory_space<hbm>>
      tpu.enqueue_indirect_dma source(%dma_start3A_399 : memref<20000x80xf32, #tpu.memory_space<hbm>>) target(%arg7 : memref<128x80xf32, #tpu.memory_space<vmem>>) offsets(%dma_start3A_396 : memref<128xi32, #tpu.memory_space<vmem>>) semaphore(%arg16 : memref<!tpu.dma_semaphore, #tpu.memory_space<semaphore_mem>>)
      %mul3A_400 = arith.constant 8 : i32
      %mul3A_401 = arith.muli %add3A_298, %mul3A_400 : i32
      %add3A_402 = arith.constant 3 : i32
      %add3A_403 = arith.addi %mul3A_401, %add3A_402 : i32
      %dma_wait3A_404 = arith.constant 0 : i32
      %dma_wait3A_405 = arith.constant 0 : i32
      %dma_wait3A_406 = tpu.memref_slice %arg11[%dma_wait3A_404, %dma_wait3A_405] : memref<8x128xi32, #tpu.memory_space<vmem>> -> memref<1x128xi32, #tpu.memory_space<vmem>>
      %dma_wait3A_407 = tpu.memref_squeeze %dma_wait3A_406 : memref<1x128xi32, #tpu.memory_space<vmem>> -> memref<128xi32, #tpu.memory_space<vmem>>
      %dma_wait3A_408 = arith.constant 0 : i32
      %dma_wait3A_409 = arith.constant 0 : i32
      %dma_wait3A_410 = tpu.memref_slice %arg2[%dma_wait3A_408, %dma_wait3A_409] : memref<20000x80xf32, #tpu.memory_space<hbm>> -> memref<20000x80xf32, #tpu.memory_space<hbm>>
      tpu.wait_indirect_dma semaphore(%arg19 : memref<!tpu.dma_semaphore, #tpu.memory_space<semaphore_mem>>) src(%dma_wait3A_410 : memref<20000x80xf32, #tpu.memory_space<hbm>>) dst(%arg10 : memref<128x80xf32, #tpu.memory_space<vmem>>)
      %dma_start3A_411 = arith.constant 3 : i32
      %dma_start3A_412 = arith.constant 0 : i32
      %dma_start3A_413 = tpu.memref_slice %arg14[%dma_start3A_411, %dma_start3A_412] : memref<8x128xi32, #tpu.memory_space<vmem>> -> memref<1x128xi32, #tpu.memory_space<vmem>>
      %dma_start3A_414 = tpu.memref_squeeze %dma_start3A_413 : memref<1x128xi32, #tpu.memory_space<vmem>> -> memref<128xi32, #tpu.memory_space<vmem>>
      %dma_start3A_415 = arith.constant 0 : i32
      %dma_start3A_416 = arith.constant 0 : i32
      %dma_start3A_417 = tpu.memref_slice %arg15[%dma_start3A_415, %dma_start3A_416] : memref<10112x80xf32, #tpu.memory_space<vmem_shared>> -> memref<10112x80xf32, #tpu.memory_space<vmem_shared>>
      tpu.enqueue_indirect_dma source(%arg10 : memref<128x80xf32, #tpu.memory_space<vmem>>) target(%dma_start3A_417 : memref<10112x80xf32, #tpu.memory_space<vmem_shared>>) offsets(%dma_start3A_414 : memref<128xi32, #tpu.memory_space<vmem>>) semaphore(%arg23 : memref<!tpu.dma_semaphore, #tpu.memory_space<semaphore_mem>>) {add = true}
      %dma_wait3A_418 = arith.constant 0 : i32
      %dma_wait3A_419 = arith.constant 0 : i32
      %dma_wait3A_420 = tpu.memref_slice %arg12[%dma_wait3A_418, %dma_wait3A_419] : memref<8x128xi32, #tpu.memory_space<vmem>> -> memref<1x128xi32, #tpu.memory_space<vmem>>
      %dma_wait3A_421 = tpu.memref_squeeze %dma_wait3A_420 : memref<1x128xi32, #tpu.memory_space<vmem>> -> memref<128xi32, #tpu.memory_space<vmem>>
      %dma_wait3A_422 = arith.constant 0 : i32
      %dma_wait3A_423 = arith.constant 0 : i32
      %dma_wait3A_424 = tpu.memref_slice %arg15[%dma_wait3A_422, %dma_wait3A_423] : memref<10112x80xf32, #tpu.memory_space<vmem_shared>> -> memref<10112x80xf32, #tpu.memory_space<vmem_shared>>
      tpu.wait_indirect_dma semaphore(%arg21 : memref<!tpu.dma_semaphore, #tpu.memory_space<semaphore_mem>>) src(%arg8 : memref<128x80xf32, #tpu.memory_space<vmem>>) dst(%dma_wait3A_424 : memref<10112x80xf32, #tpu.memory_space<vmem_shared>>)
      %dma_start3A_425 = arith.constant 5 : i32
      %dma_start3A_426 = arith.constant 0 : i32
      %dma_start3A_427 = tpu.memref_slice %arg13[%dma_start3A_425, %dma_start3A_426] : memref<8x128xi32, #tpu.memory_space<vmem>> -> memref<1x128xi32, #tpu.memory_space<vmem>>
      %dma_start3A_428 = tpu.memref_squeeze %dma_start3A_427 : memref<1x128xi32, #tpu.memory_space<vmem>> -> memref<128xi32, #tpu.memory_space<vmem>>
      %dma_start3A_429 = arith.constant 0 : i32
      %dma_start3A_430 = arith.constant 0 : i32
      %dma_start3A_431 = tpu.memref_slice %arg2[%dma_start3A_429, %dma_start3A_430] : memref<20000x80xf32, #tpu.memory_space<hbm>> -> memref<20000x80xf32, #tpu.memory_space<hbm>>
      tpu.enqueue_indirect_dma source(%dma_start3A_431 : memref<20000x80xf32, #tpu.memory_space<hbm>>) target(%arg8 : memref<128x80xf32, #tpu.memory_space<vmem>>) offsets(%dma_start3A_428 : memref<128xi32, #tpu.memory_space<vmem>>) semaphore(%arg17 : memref<!tpu.dma_semaphore, #tpu.memory_space<semaphore_mem>>)
      %mul3A_432 = arith.constant 8 : i32
      %mul3A_433 = arith.muli %add3A_298, %mul3A_432 : i32
      %add3A_434 = arith.constant 4 : i32
      %add3A_435 = arith.addi %mul3A_433, %add3A_434 : i32
      %dma_wait3A_436 = arith.constant 0 : i32
      %dma_wait3A_437 = arith.constant 0 : i32
      %dma_wait3A_438 = tpu.memref_slice %arg11[%dma_wait3A_436, %dma_wait3A_437] : memref<8x128xi32, #tpu.memory_space<vmem>> -> memref<1x128xi32, #tpu.memory_space<vmem>>
      %dma_wait3A_439 = tpu.memref_squeeze %dma_wait3A_438 : memref<1x128xi32, #tpu.memory_space<vmem>> -> memref<128xi32, #tpu.memory_space<vmem>>
      %dma_wait3A_440 = arith.constant 0 : i32
      %dma_wait3A_441 = arith.constant 0 : i32
      %dma_wait3A_442 = tpu.memref_slice %arg2[%dma_wait3A_440, %dma_wait3A_441] : memref<20000x80xf32, #tpu.memory_space<hbm>> -> memref<20000x80xf32, #tpu.memory_space<hbm>>
      tpu.wait_indirect_dma semaphore(%arg16 : memref<!tpu.dma_semaphore, #tpu.memory_space<semaphore_mem>>) src(%dma_wait3A_442 : memref<20000x80xf32, #tpu.memory_space<hbm>>) dst(%arg7 : memref<128x80xf32, #tpu.memory_space<vmem>>)
      %dma_start3A_443 = arith.constant 4 : i32
      %dma_start3A_444 = arith.constant 0 : i32
      %dma_start3A_445 = tpu.memref_slice %arg14[%dma_start3A_443, %dma_start3A_444] : memref<8x128xi32, #tpu.memory_space<vmem>> -> memref<1x128xi32, #tpu.memory_space<vmem>>
      %dma_start3A_446 = tpu.memref_squeeze %dma_start3A_445 : memref<1x128xi32, #tpu.memory_space<vmem>> -> memref<128xi32, #tpu.memory_space<vmem>>
      %dma_start3A_447 = arith.constant 0 : i32
      %dma_start3A_448 = arith.constant 0 : i32
      %dma_start3A_449 = tpu.memref_slice %arg15[%dma_start3A_447, %dma_start3A_448] : memref<10112x80xf32, #tpu.memory_space<vmem_shared>> -> memref<10112x80xf32, #tpu.memory_space<vmem_shared>>
      tpu.enqueue_indirect_dma source(%arg7 : memref<128x80xf32, #tpu.memory_space<vmem>>) target(%dma_start3A_449 : memref<10112x80xf32, #tpu.memory_space<vmem_shared>>) offsets(%dma_start3A_446 : memref<128xi32, #tpu.memory_space<vmem>>) semaphore(%arg20 : memref<!tpu.dma_semaphore, #tpu.memory_space<semaphore_mem>>) {add = true}
      %dma_wait3A_450 = arith.constant 0 : i32
      %dma_wait3A_451 = arith.constant 0 : i32
      %dma_wait3A_452 = tpu.memref_slice %arg12[%dma_wait3A_450, %dma_wait3A_451] : memref<8x128xi32, #tpu.memory_space<vmem>> -> memref<1x128xi32, #tpu.memory_space<vmem>>
      %dma_wait3A_453 = tpu.memref_squeeze %dma_wait3A_452 : memref<1x128xi32, #tpu.memory_space<vmem>> -> memref<128xi32, #tpu.memory_space<vmem>>
      %dma_wait3A_454 = arith.constant 0 : i32
      %dma_wait3A_455 = arith.constant 0 : i32
      %dma_wait3A_456 = tpu.memref_slice %arg15[%dma_wait3A_454, %dma_wait3A_455] : memref<10112x80xf32, #tpu.memory_space<vmem_shared>> -> memref<10112x80xf32, #tpu.memory_space<vmem_shared>>
      tpu.wait_indirect_dma semaphore(%arg22 : memref<!tpu.dma_semaphore, #tpu.memory_space<semaphore_mem>>) src(%arg9 : memref<128x80xf32, #tpu.memory_space<vmem>>) dst(%dma_wait3A_456 : memref<10112x80xf32, #tpu.memory_space<vmem_shared>>)
      %dma_start3A_457 = arith.constant 6 : i32
      %dma_start3A_458 = arith.constant 0 : i32
      %dma_start3A_459 = tpu.memref_slice %arg13[%dma_start3A_457, %dma_start3A_458] : memref<8x128xi32, #tpu.memory_space<vmem>> -> memref<1x128xi32, #tpu.memory_space<vmem>>
      %dma_start3A_460 = tpu.memref_squeeze %dma_start3A_459 : memref<1x128xi32, #tpu.memory_space<vmem>> -> memref<128xi32, #tpu.memory_space<vmem>>
      %dma_start3A_461 = arith.constant 0 : i32
      %dma_start3A_462 = arith.constant 0 : i32
      %dma_start3A_463 = tpu.memref_slice %arg2[%dma_start3A_461, %dma_start3A_462] : memref<20000x80xf32, #tpu.memory_space<hbm>> -> memref<20000x80xf32, #tpu.memory_space<hbm>>
      tpu.enqueue_indirect_dma source(%dma_start3A_463 : memref<20000x80xf32, #tpu.memory_space<hbm>>) target(%arg9 : memref<128x80xf32, #tpu.memory_space<vmem>>) offsets(%dma_start3A_460 : memref<128xi32, #tpu.memory_space<vmem>>) semaphore(%arg18 : memref<!tpu.dma_semaphore, #tpu.memory_space<semaphore_mem>>)
      %mul3A_464 = arith.constant 8 : i32
      %mul3A_465 = arith.muli %add3A_298, %mul3A_464 : i32
      %add3A_466 = arith.constant 5 : i32
      %add3A_467 = arith.addi %mul3A_465, %add3A_466 : i32
      %dma_wait3A_468 = arith.constant 0 : i32
      %dma_wait3A_469 = arith.constant 0 : i32
      %dma_wait3A_470 = tpu.memref_slice %arg11[%dma_wait3A_468, %dma_wait3A_469] : memref<8x128xi32, #tpu.memory_space<vmem>> -> memref<1x128xi32, #tpu.memory_space<vmem>>
      %dma_wait3A_471 = tpu.memref_squeeze %dma_wait3A_470 : memref<1x128xi32, #tpu.memory_space<vmem>> -> memref<128xi32, #tpu.memory_space<vmem>>
      %dma_wait3A_472 = arith.constant 0 : i32
      %dma_wait3A_473 = arith.constant 0 : i32
      %dma_wait3A_474 = tpu.memref_slice %arg2[%dma_wait3A_472, %dma_wait3A_473] : memref<20000x80xf32, #tpu.memory_space<hbm>> -> memref<20000x80xf32, #tpu.memory_space<hbm>>
      tpu.wait_indirect_dma semaphore(%arg17 : memref<!tpu.dma_semaphore, #tpu.memory_space<semaphore_mem>>) src(%dma_wait3A_474 : memref<20000x80xf32, #tpu.memory_space<hbm>>) dst(%arg8 : memref<128x80xf32, #tpu.memory_space<vmem>>)
      %dma_start3A_475 = arith.constant 5 : i32
      %dma_start3A_476 = arith.constant 0 : i32
      %dma_start3A_477 = tpu.memref_slice %arg14[%dma_start3A_475, %dma_start3A_476] : memref<8x128xi32, #tpu.memory_space<vmem>> -> memref<1x128xi32, #tpu.memory_space<vmem>>
      %dma_start3A_478 = tpu.memref_squeeze %dma_start3A_477 : memref<1x128xi32, #tpu.memory_space<vmem>> -> memref<128xi32, #tpu.memory_space<vmem>>
      %dma_start3A_479 = arith.constant 0 : i32
      %dma_start3A_480 = arith.constant 0 : i32
      %dma_start3A_481 = tpu.memref_slice %arg15[%dma_start3A_479, %dma_start3A_480] : memref<10112x80xf32, #tpu.memory_space<vmem_shared>> -> memref<10112x80xf32, #tpu.memory_space<vmem_shared>>
      tpu.enqueue_indirect_dma source(%arg8 : memref<128x80xf32, #tpu.memory_space<vmem>>) target(%dma_start3A_481 : memref<10112x80xf32, #tpu.memory_space<vmem_shared>>) offsets(%dma_start3A_478 : memref<128xi32, #tpu.memory_space<vmem>>) semaphore(%arg21 : memref<!tpu.dma_semaphore, #tpu.memory_space<semaphore_mem>>) {add = true}
      %dma_wait3A_482 = arith.constant 0 : i32
      %dma_wait3A_483 = arith.constant 0 : i32
      %dma_wait3A_484 = tpu.memref_slice %arg12[%dma_wait3A_482, %dma_wait3A_483] : memref<8x128xi32, #tpu.memory_space<vmem>> -> memref<1x128xi32, #tpu.memory_space<vmem>>
      %dma_wait3A_485 = tpu.memref_squeeze %dma_wait3A_484 : memref<1x128xi32, #tpu.memory_space<vmem>> -> memref<128xi32, #tpu.memory_space<vmem>>
      %dma_wait3A_486 = arith.constant 0 : i32
      %dma_wait3A_487 = arith.constant 0 : i32
      %dma_wait3A_488 = tpu.memref_slice %arg15[%dma_wait3A_486, %dma_wait3A_487] : memref<10112x80xf32, #tpu.memory_space<vmem_shared>> -> memref<10112x80xf32, #tpu.memory_space<vmem_shared>>
      tpu.wait_indirect_dma semaphore(%arg23 : memref<!tpu.dma_semaphore, #tpu.memory_space<semaphore_mem>>) src(%arg10 : memref<128x80xf32, #tpu.memory_space<vmem>>) dst(%dma_wait3A_488 : memref<10112x80xf32, #tpu.memory_space<vmem_shared>>)
      %lt3A_489 = arith.constant 19 : i32
      %lt3A_490 = arith.cmpi slt, %add3A_298, %lt3A_489 : i32
      %convert_element_type3A_491 = arith.extui %lt3A_490 : i1 to i32
      %cond3A_492 = arith.constant 0 : i32
      %cond3A_493 = arith.cmpi ne, %convert_element_type3A_491, %cond3A_492 : i32
      scf.if %cond3A_493 {
        %dma_wait3A_561 = arith.constant 0 : i32
        %dma_wait3A_562 = arith.constant 0 : i32
        %dma_wait3A_563 = arith.constant 0 : i32
        %dma_wait3A_564 = arith.constant 0 : i32
        %dma_wait3A_565 = arith.constant 0 : i32
        %dma_wait3A_566 = tpu.memref_slice %arg3[%dma_wait3A_561, %dma_wait3A_562, %dma_wait3A_563, %dma_wait3A_564, %dma_wait3A_565] : memref<2x16x20x8x128xi32, #tpu.memory_space<hbm>> -> memref<1x1x1x8x128xi32, #tpu.memory_space<hbm>>
        %dma_wait3A_567 = tpu.memref_squeeze %dma_wait3A_566 : memref<1x1x1x8x128xi32, #tpu.memory_space<hbm>> -> memref<8x128xi32, #tpu.memory_space<hbm>>
        %dma_wait3A_568 = arith.constant 0 : i32
        %dma_wait3A_569 = arith.constant 0 : i32
        %dma_wait3A_570 = tpu.memref_slice %arg3[%dma_wait3A_561, %dma_wait3A_562, %dma_wait3A_563, %dma_wait3A_568, %dma_wait3A_569] : memref<2x16x20x8x128xi32, #tpu.memory_space<hbm>> -> memref<1x1x1x8x128xi32, #tpu.memory_space<hbm>>
        %dma_wait3A_571 = tpu.memref_squeeze %dma_wait3A_570 : memref<1x1x1x8x128xi32, #tpu.memory_space<hbm>> -> memref<8x128xi32, #tpu.memory_space<hbm>>
        tpu.wait_dma2 semaphore(%arg24 : memref<!tpu.dma_semaphore, #tpu.memory_space<semaphore_mem>>) src(%dma_wait3A_571 : memref<8x128xi32, #tpu.memory_space<hbm>>) dst(%arg11 : memref<8x128xi32, #tpu.memory_space<vmem>>)
        %dma_wait3A_572 = arith.constant 0 : i32
        %dma_wait3A_573 = arith.constant 0 : i32
        %dma_wait3A_574 = arith.constant 0 : i32
        %dma_wait3A_575 = arith.constant 0 : i32
        %dma_wait3A_576 = tpu.memref_slice %arg4[%dma_wait3A_572, %dma_wait3A_573, %dma_wait3A_574, %dma_wait3A_575] : memref<16x20x8x128xi32, #tpu.memory_space<hbm>> -> memref<1x1x8x128xi32, #tpu.memory_space<hbm>>
        %dma_wait3A_577 = tpu.memref_squeeze %dma_wait3A_576 : memref<1x1x8x128xi32, #tpu.memory_space<hbm>> -> memref<8x128xi32, #tpu.memory_space<hbm>>
        %dma_wait3A_578 = arith.constant 0 : i32
        %dma_wait3A_579 = arith.constant 0 : i32
        %dma_wait3A_580 = tpu.memref_slice %arg4[%dma_wait3A_572, %dma_wait3A_573, %dma_wait3A_578, %dma_wait3A_579] : memref<16x20x8x128xi32, #tpu.memory_space<hbm>> -> memref<1x1x8x128xi32, #tpu.memory_space<hbm>>
        %dma_wait3A_581 = tpu.memref_squeeze %dma_wait3A_580 : memref<1x1x8x128xi32, #tpu.memory_space<hbm>> -> memref<8x128xi32, #tpu.memory_space<hbm>>
        tpu.wait_dma2 semaphore(%arg24 : memref<!tpu.dma_semaphore, #tpu.memory_space<semaphore_mem>>) src(%dma_wait3A_581 : memref<8x128xi32, #tpu.memory_space<hbm>>) dst(%arg12 : memref<8x128xi32, #tpu.memory_space<vmem>>)
      } else {
      }
      %dma_start3A_494 = arith.constant 7 : i32
      %dma_start3A_495 = arith.constant 0 : i32
      %dma_start3A_496 = tpu.memref_slice %arg13[%dma_start3A_494, %dma_start3A_495] : memref<8x128xi32, #tpu.memory_space<vmem>> -> memref<1x128xi32, #tpu.memory_space<vmem>>
      %dma_start3A_497 = tpu.memref_squeeze %dma_start3A_496 : memref<1x128xi32, #tpu.memory_space<vmem>> -> memref<128xi32, #tpu.memory_space<vmem>>
      %dma_start3A_498 = arith.constant 0 : i32
      %dma_start3A_499 = arith.constant 0 : i32
      %dma_start3A_500 = tpu.memref_slice %arg2[%dma_start3A_498, %dma_start3A_499] : memref<20000x80xf32, #tpu.memory_space<hbm>> -> memref<20000x80xf32, #tpu.memory_space<hbm>>
      tpu.enqueue_indirect_dma source(%dma_start3A_500 : memref<20000x80xf32, #tpu.memory_space<hbm>>) target(%arg10 : memref<128x80xf32, #tpu.memory_space<vmem>>) offsets(%dma_start3A_497 : memref<128xi32, #tpu.memory_space<vmem>>) semaphore(%arg19 : memref<!tpu.dma_semaphore, #tpu.memory_space<semaphore_mem>>)
      %mul3A_501 = arith.constant 8 : i32
      %mul3A_502 = arith.muli %add3A_298, %mul3A_501 : i32
      %add3A_503 = arith.constant 6 : i32
      %add3A_504 = arith.addi %mul3A_502, %add3A_503 : i32
      %dma_wait3A_505 = arith.constant 0 : i32
      %dma_wait3A_506 = arith.constant 0 : i32
      %dma_wait3A_507 = tpu.memref_slice %arg11[%dma_wait3A_505, %dma_wait3A_506] : memref<8x128xi32, #tpu.memory_space<vmem>> -> memref<1x128xi32, #tpu.memory_space<vmem>>
      %dma_wait3A_508 = tpu.memref_squeeze %dma_wait3A_507 : memref<1x128xi32, #tpu.memory_space<vmem>> -> memref<128xi32, #tpu.memory_space<vmem>>
      %dma_wait3A_509 = arith.constant 0 : i32
      %dma_wait3A_510 = arith.constant 0 : i32
      %dma_wait3A_511 = tpu.memref_slice %arg2[%dma_wait3A_509, %dma_wait3A_510] : memref<20000x80xf32, #tpu.memory_space<hbm>> -> memref<20000x80xf32, #tpu.memory_space<hbm>>
      tpu.wait_indirect_dma semaphore(%arg18 : memref<!tpu.dma_semaphore, #tpu.memory_space<semaphore_mem>>) src(%dma_wait3A_511 : memref<20000x80xf32, #tpu.memory_space<hbm>>) dst(%arg9 : memref<128x80xf32, #tpu.memory_space<vmem>>)
      %dma_start3A_512 = arith.constant 6 : i32
      %dma_start3A_513 = arith.constant 0 : i32
      %dma_start3A_514 = tpu.memref_slice %arg14[%dma_start3A_512, %dma_start3A_513] : memref<8x128xi32, #tpu.memory_space<vmem>> -> memref<1x128xi32, #tpu.memory_space<vmem>>
      %dma_start3A_515 = tpu.memref_squeeze %dma_start3A_514 : memref<1x128xi32, #tpu.memory_space<vmem>> -> memref<128xi32, #tpu.memory_space<vmem>>
      %dma_start3A_516 = arith.constant 0 : i32
      %dma_start3A_517 = arith.constant 0 : i32
      %dma_start3A_518 = tpu.memref_slice %arg15[%dma_start3A_516, %dma_start3A_517] : memref<10112x80xf32, #tpu.memory_space<vmem_shared>> -> memref<10112x80xf32, #tpu.memory_space<vmem_shared>>
      tpu.enqueue_indirect_dma source(%arg9 : memref<128x80xf32, #tpu.memory_space<vmem>>) target(%dma_start3A_518 : memref<10112x80xf32, #tpu.memory_space<vmem_shared>>) offsets(%dma_start3A_515 : memref<128xi32, #tpu.memory_space<vmem>>) semaphore(%arg22 : memref<!tpu.dma_semaphore, #tpu.memory_space<semaphore_mem>>) {add = true}
      %dma_wait3A_519 = arith.constant 0 : i32
      %dma_wait3A_520 = arith.constant 0 : i32
      %dma_wait3A_521 = tpu.memref_slice %arg12[%dma_wait3A_519, %dma_wait3A_520] : memref<8x128xi32, #tpu.memory_space<vmem>> -> memref<1x128xi32, #tpu.memory_space<vmem>>
      %dma_wait3A_522 = tpu.memref_squeeze %dma_wait3A_521 : memref<1x128xi32, #tpu.memory_space<vmem>> -> memref<128xi32, #tpu.memory_space<vmem>>
      %dma_wait3A_523 = arith.constant 0 : i32
      %dma_wait3A_524 = arith.constant 0 : i32
      %dma_wait3A_525 = tpu.memref_slice %arg15[%dma_wait3A_523, %dma_wait3A_524] : memref<10112x80xf32, #tpu.memory_space<vmem_shared>> -> memref<10112x80xf32, #tpu.memory_space<vmem_shared>>
      tpu.wait_indirect_dma semaphore(%arg20 : memref<!tpu.dma_semaphore, #tpu.memory_space<semaphore_mem>>) src(%arg7 : memref<128x80xf32, #tpu.memory_space<vmem>>) dst(%dma_wait3A_525 : memref<10112x80xf32, #tpu.memory_space<vmem_shared>>)
      %lt3A_526 = arith.constant 19 : i32
      %lt3A_527 = arith.cmpi slt, %add3A_298, %lt3A_526 : i32
      %convert_element_type3A_528 = arith.extui %lt3A_527 : i1 to i32
      %cond3A_529 = arith.constant 0 : i32
      %cond3A_530 = arith.cmpi ne, %convert_element_type3A_528, %cond3A_529 : i32
      scf.if %cond3A_530 {
        %dma_start3A_561 = arith.constant 0 : i32
        %dma_start3A_562 = arith.constant 0 : i32
        %dma_start3A_563 = tpu.memref_slice %arg11[%dma_start3A_561, %dma_start3A_562] : memref<8x128xi32, #tpu.memory_space<vmem>> -> memref<1x128xi32, #tpu.memory_space<vmem>>
        %dma_start3A_564 = tpu.memref_squeeze %dma_start3A_563 : memref<1x128xi32, #tpu.memory_space<vmem>> -> memref<128xi32, #tpu.memory_space<vmem>>
        %dma_start3A_565 = arith.constant 0 : i32
        %dma_start3A_566 = arith.constant 0 : i32
        %dma_start3A_567 = tpu.memref_slice %arg2[%dma_start3A_565, %dma_start3A_566] : memref<20000x80xf32, #tpu.memory_space<hbm>> -> memref<20000x80xf32, #tpu.memory_space<hbm>>
        tpu.enqueue_indirect_dma source(%dma_start3A_567 : memref<20000x80xf32, #tpu.memory_space<hbm>>) target(%arg7 : memref<128x80xf32, #tpu.memory_space<vmem>>) offsets(%dma_start3A_564 : memref<128xi32, #tpu.memory_space<vmem>>) semaphore(%arg16 : memref<!tpu.dma_semaphore, #tpu.memory_space<semaphore_mem>>)
      } else {
      }
      %mul3A_531 = arith.constant 8 : i32
      %mul3A_532 = arith.muli %add3A_298, %mul3A_531 : i32
      %add3A_533 = arith.constant 7 : i32
      %add3A_534 = arith.addi %mul3A_532, %add3A_533 : i32
      %dma_wait3A_535 = arith.constant 0 : i32
      %dma_wait3A_536 = arith.constant 0 : i32
      %dma_wait3A_537 = tpu.memref_slice %arg11[%dma_wait3A_535, %dma_wait3A_536] : memref<8x128xi32, #tpu.memory_space<vmem>> -> memref<1x128xi32, #tpu.memory_space<vmem>>
      %dma_wait3A_538 = tpu.memref_squeeze %dma_wait3A_537 : memref<1x128xi32, #tpu.memory_space<vmem>> -> memref<128xi32, #tpu.memory_space<vmem>>
      %dma_wait3A_539 = arith.constant 0 : i32
      %dma_wait3A_540 = arith.constant 0 : i32
      %dma_wait3A_541 = tpu.memref_slice %arg2[%dma_wait3A_539, %dma_wait3A_540] : memref<20000x80xf32, #tpu.memory_space<hbm>> -> memref<20000x80xf32, #tpu.memory_space<hbm>>
      tpu.wait_indirect_dma semaphore(%arg19 : memref<!tpu.dma_semaphore, #tpu.memory_space<semaphore_mem>>) src(%dma_wait3A_541 : memref<20000x80xf32, #tpu.memory_space<hbm>>) dst(%arg10 : memref<128x80xf32, #tpu.memory_space<vmem>>)
      %dma_start3A_542 = arith.constant 7 : i32
      %dma_start3A_543 = arith.constant 0 : i32
      %dma_start3A_544 = tpu.memref_slice %arg14[%dma_start3A_542, %dma_start3A_543] : memref<8x128xi32, #tpu.memory_space<vmem>> -> memref<1x128xi32, #tpu.memory_space<vmem>>
      %dma_start3A_545 = tpu.memref_squeeze %dma_start3A_544 : memref<1x128xi32, #tpu.memory_space<vmem>> -> memref<128xi32, #tpu.memory_space<vmem>>
      %dma_start3A_546 = arith.constant 0 : i32
      %dma_start3A_547 = arith.constant 0 : i32
      %dma_start3A_548 = tpu.memref_slice %arg15[%dma_start3A_546, %dma_start3A_547] : memref<10112x80xf32, #tpu.memory_space<vmem_shared>> -> memref<10112x80xf32, #tpu.memory_space<vmem_shared>>
      tpu.enqueue_indirect_dma source(%arg10 : memref<128x80xf32, #tpu.memory_space<vmem>>) target(%dma_start3A_548 : memref<10112x80xf32, #tpu.memory_space<vmem_shared>>) offsets(%dma_start3A_545 : memref<128xi32, #tpu.memory_space<vmem>>) semaphore(%arg23 : memref<!tpu.dma_semaphore, #tpu.memory_space<semaphore_mem>>) {add = true}
      %dma_wait3A_549 = arith.constant 0 : i32
      %dma_wait3A_550 = arith.constant 0 : i32
      %dma_wait3A_551 = tpu.memref_slice %arg12[%dma_wait3A_549, %dma_wait3A_550] : memref<8x128xi32, #tpu.memory_space<vmem>> -> memref<1x128xi32, #tpu.memory_space<vmem>>
      %dma_wait3A_552 = tpu.memref_squeeze %dma_wait3A_551 : memref<1x128xi32, #tpu.memory_space<vmem>> -> memref<128xi32, #tpu.memory_space<vmem>>
      %dma_wait3A_553 = arith.constant 0 : i32
      %dma_wait3A_554 = arith.constant 0 : i32
      %dma_wait3A_555 = tpu.memref_slice %arg15[%dma_wait3A_553, %dma_wait3A_554] : memref<10112x80xf32, #tpu.memory_space<vmem_shared>> -> memref<10112x80xf32, #tpu.memory_space<vmem_shared>>
      tpu.wait_indirect_dma semaphore(%arg21 : memref<!tpu.dma_semaphore, #tpu.memory_space<semaphore_mem>>) src(%arg8 : memref<128x80xf32, #tpu.memory_space<vmem>>) dst(%dma_wait3A_555 : memref<10112x80xf32, #tpu.memory_space<vmem_shared>>)
      %lt3A_556 = arith.constant 19 : i32
      %lt3A_557 = arith.cmpi slt, %add3A_298, %lt3A_556 : i32
      %convert_element_type3A_558 = arith.extui %lt3A_557 : i1 to i32
      %cond3A_559 = arith.constant 0 : i32
      %cond3A_560 = arith.cmpi ne, %convert_element_type3A_558, %cond3A_559 : i32
      scf.if %cond3A_560 {
        %dma_start3A_561 = arith.constant 1 : i32
        %dma_start3A_562 = arith.constant 0 : i32
        %dma_start3A_563 = tpu.memref_slice %arg11[%dma_start3A_561, %dma_start3A_562] : memref<8x128xi32, #tpu.memory_space<vmem>> -> memref<1x128xi32, #tpu.memory_space<vmem>>
        %dma_start3A_564 = tpu.memref_squeeze %dma_start3A_563 : memref<1x128xi32, #tpu.memory_space<vmem>> -> memref<128xi32, #tpu.memory_space<vmem>>
        %dma_start3A_565 = arith.constant 0 : i32
        %dma_start3A_566 = arith.constant 0 : i32
        %dma_start3A_567 = tpu.memref_slice %arg2[%dma_start3A_565, %dma_start3A_566] : memref<20000x80xf32, #tpu.memory_space<hbm>> -> memref<20000x80xf32, #tpu.memory_space<hbm>>
        tpu.enqueue_indirect_dma source(%dma_start3A_567 : memref<20000x80xf32, #tpu.memory_space<hbm>>) target(%arg8 : memref<128x80xf32, #tpu.memory_space<vmem>>) offsets(%dma_start3A_564 : memref<128xi32, #tpu.memory_space<vmem>>) semaphore(%arg17 : memref<!tpu.dma_semaphore, #tpu.memory_space<semaphore_mem>>)
      } else {
      }
    }
    %scan3A_18 = arith.constant 10 : i32
    %dma_wait3A = arith.constant 0 : i32
    %dma_wait3A_19 = arith.constant 0 : i32
    %dma_wait3A_20 = tpu.memref_slice %arg12[%dma_wait3A, %dma_wait3A_19] : memref<8x128xi32, #tpu.memory_space<vmem>> -> memref<1x128xi32, #tpu.memory_space<vmem>>
    %dma_wait3A_21 = tpu.memref_squeeze %dma_wait3A_20 : memref<1x128xi32, #tpu.memory_space<vmem>> -> memref<128xi32, #tpu.memory_space<vmem>>
    %dma_wait3A_22 = arith.constant 0 : i32
    %dma_wait3A_23 = arith.constant 0 : i32
    %dma_wait3A_24 = tpu.memref_slice %arg15[%dma_wait3A_22, %dma_wait3A_23] : memref<10112x80xf32, #tpu.memory_space<vmem_shared>> -> memref<10112x80xf32, #tpu.memory_space<vmem_shared>>
    tpu.wait_indirect_dma semaphore(%arg22 : memref<!tpu.dma_semaphore, #tpu.memory_space<semaphore_mem>>) src(%arg9 : memref<128x80xf32, #tpu.memory_space<vmem>>) dst(%dma_wait3A_24 : memref<10112x80xf32, #tpu.memory_space<vmem_shared>>)
    %dma_wait3A_25 = arith.constant 0 : i32
    %dma_wait3A_26 = arith.constant 0 : i32
    %dma_wait3A_27 = tpu.memref_slice %arg12[%dma_wait3A_25, %dma_wait3A_26] : memref<8x128xi32, #tpu.memory_space<vmem>> -> memref<1x128xi32, #tpu.memory_space<vmem>>
    %dma_wait3A_28 = tpu.memref_squeeze %dma_wait3A_27 : memref<1x128xi32, #tpu.memory_space<vmem>> -> memref<128xi32, #tpu.memory_space<vmem>>
    %dma_wait3A_29 = arith.constant 0 : i32
    %dma_wait3A_30 = arith.constant 0 : i32
    %dma_wait3A_31 = tpu.memref_slice %arg15[%dma_wait3A_29, %dma_wait3A_30] : memref<10112x80xf32, #tpu.memory_space<vmem_shared>> -> memref<10112x80xf32, #tpu.memory_space<vmem_shared>>
    tpu.wait_indirect_dma semaphore(%arg23 : memref<!tpu.dma_semaphore, #tpu.memory_space<semaphore_mem>>) src(%arg10 : memref<128x80xf32, #tpu.memory_space<vmem>>) dst(%dma_wait3A_31 : memref<10112x80xf32, #tpu.memory_space<vmem_shared>>)
    %barrier3A_32 = arith.constant 0 : index
    tpu.barrier barrier_id(%barrier3A_32)
    "tpu.region"() ({
      %run_scoped3A_33 = tpu.sem_alloc : memref<!tpu.dma_semaphore, #tpu.memory_space<semaphore_mem>>
      %dma_start3A_34 = arith.constant 0 : i32
      %dma_start3A_35 = tpu.memref_slice %arg6[%arg0, %mul3A_0, %dma_start3A_34] : memref<2x10112x80xf32, #tpu.memory_space<hbm>> -> memref<1x632x80xf32, #tpu.memory_space<hbm>>
      %dma_start3A_36 = tpu.memref_squeeze %dma_start3A_35 : memref<1x632x80xf32, #tpu.memory_space<hbm>> -> memref<632x80xf32, #tpu.memory_space<hbm>>
      %dma_start3A_37 = arith.constant 0 : i32
      %dma_start3A_38 = tpu.memref_slice %arg15[%mul3A_0, %dma_start3A_37] : memref<10112x80xf32, #tpu.memory_space<vmem_shared>> -> memref<632x80xf32, #tpu.memory_space<vmem_shared>>
      tpu.enqueue_dma source(%dma_start3A_38 : memref<632x80xf32, #tpu.memory_space<vmem_shared>>) target(%dma_start3A_36 : memref<632x80xf32, #tpu.memory_space<hbm>>) target_semaphore(%run_scoped3A_33 : memref<!tpu.dma_semaphore, #tpu.memory_space<semaphore_mem>>)
      %dma_wait3A_39 = arith.constant 0 : i32
      %dma_wait3A_40 = tpu.memref_slice %arg6[%arg0, %mul3A_0, %dma_wait3A_39] : memref<2x10112x80xf32, #tpu.memory_space<hbm>> -> memref<1x632x80xf32, #tpu.memory_space<hbm>>
      %dma_wait3A_41 = tpu.memref_squeeze %dma_wait3A_40 : memref<1x632x80xf32, #tpu.memory_space<hbm>> -> memref<632x80xf32, #tpu.memory_space<hbm>>
      %dma_wait3A_42 = arith.constant 0 : i32
      %dma_wait3A_43 = tpu.memref_slice %arg15[%mul3A_0, %dma_wait3A_42] : memref<10112x80xf32, #tpu.memory_space<vmem_shared>> -> memref<632x80xf32, #tpu.memory_space<vmem_shared>>
      tpu.wait_dma2 semaphore(%run_scoped3A_33 : memref<!tpu.dma_semaphore, #tpu.memory_space<semaphore_mem>>) src(%dma_wait3A_43 : memref<632x80xf32, #tpu.memory_space<vmem_shared>>) dst(%dma_wait3A_41 : memref<632x80xf32, #tpu.memory_space<hbm>>)
      tpu.yield
    }) : () -> ()
    return
  }
}

module attributes {stable_mosaic.version = 14 : i64} {
  func.func @_mlp_body(%arg0: i32, %arg1: memref<2000x128xf32, #tpu.memory_space<vmem>>, %arg2: memref<128x128xf32, #tpu.memory_space<vmem>>, %arg3: memref<128x128xf32, #tpu.memory_space<vmem>>, %arg4: memref<2000x80xf32, #tpu.memory_space<vmem>>, %arg5: memref<2000x80xf32, #tpu.memory_space<vmem>>) attributes {dimension_semantics = [#tpu.dimension_semantics<arbitrary>], iteration_bounds = array<i64: 5>, scalar_prefetch = 0 : i64, scratch_operands = 0 : i64, tpu.core_type = #tpu.core_type<tc>, window_params = [{transform_indices = @transform_0, window_bounds = array<i64: 2000, 128>}, {pipeline_mode = #tpu.pipeline_mode<synchronous>, transform_indices = @transform_1, window_bounds = array<i64: 128, 128>}, {pipeline_mode = #tpu.pipeline_mode<synchronous>, transform_indices = @transform_2, window_bounds = array<i64: 128, 128>}, {transform_indices = @transform_3, window_bounds = array<i64: 2000, 80>}, {transform_indices = @transform_4, window_bounds = array<i64: 2000, 80>}]} {
    %get3A = arith.constant 0 : index
    %get3A_0 = arith.constant 0 : index
    %get3A_1 = vector.load %arg1[%get3A, %get3A_0] : memref<2000x128xf32, #tpu.memory_space<vmem>>, vector<2000x128xf32>
    %get3A_2 = arith.constant 0 : index
    %get3A_3 = arith.constant 0 : index
    %get3A_4 = vector.load %arg2[%get3A_2, %get3A_3] : memref<128x128xf32, #tpu.memory_space<vmem>>, vector<128x128xf32>
    %dot_general3A = arith.constant dense<0.000000e+00> : vector<2000x128xf32>
    %dot_general3A_5 = tpu.matmul %get3A_1, %get3A_4, %dot_general3A {dimension_numbers = #tpu.dot_dimension_numbers<[1], [0], [0], [1], [0, 0, 1, 1], [], []>, transpose_lhs_hint = false} : vector<2000x128xf32>, vector<128x128xf32>, vector<2000x128xf32> -> vector<2000x128xf32>
    %max3A = arith.constant 0.000000e+00 : f32
    %max3A_6 = vector.broadcast %max3A : f32 to vector<2000x128xf32>
    %max3A_7 = arith.maximumf %dot_general3A_5, %max3A_6 : vector<2000x128xf32>
    %get3A_8 = arith.constant 0 : index
    %get3A_9 = arith.constant 0 : index
    %get3A_10 = vector.load %arg3[%get3A_8, %get3A_9] : memref<128x128xf32, #tpu.memory_space<vmem>>, vector<128x128xf32>
    %dot_general3A_11 = arith.constant dense<0.000000e+00> : vector<2000x128xf32>
    %dot_general3A_12 = tpu.matmul %max3A_7, %get3A_10, %dot_general3A_11 {dimension_numbers = #tpu.dot_dimension_numbers<[1], [0], [0], [1], [0, 0, 1, 1], [], []>, transpose_lhs_hint = false} : vector<2000x128xf32>, vector<128x128xf32>, vector<2000x128xf32> -> vector<2000x128xf32>
    %broadcast_in_dim3A = arith.constant 1.000000e+00 : f32
    %broadcast_in_dim3A_13 = vector.broadcast %broadcast_in_dim3A : f32 to vector<2000x1xf32>
    %broadcast_in_dim3A_14 = arith.constant 0.000000e+00 : f32
    %broadcast_in_dim3A_15 = vector.broadcast %broadcast_in_dim3A_14 : f32 to vector<2000x15xf32>
    %slice3A = vector.extract_strided_slice %dot_general3A_12 {offsets = [0, 0], sizes = [2000, 64], strides = [1, 1]} : vector<2000x128xf32> to vector<2000x64xf32>
    %concatenate3A = tpu.concatenate %slice3A, %broadcast_in_dim3A_13, %broadcast_in_dim3A_15 in 1 : vector<2000x64xf32>, vector<2000x1xf32>, vector<2000x15xf32> -> vector<2000x80xf32>
    %swap3A = arith.constant 0 : index
    %swap3A_16 = arith.constant 0 : index
    %swap3A_17 = vector.load %arg4[%swap3A, %swap3A_16] : memref<2000x80xf32, #tpu.memory_space<vmem>>, vector<2000x80xf32>
    tpu.vector_store %arg4[%swap3A, %swap3A_16], %concatenate3A {strides = array<i32>} : memref<2000x80xf32, #tpu.memory_space<vmem>>, vector<2000x80xf32>,
    %slice3A_18 = vector.extract_strided_slice %dot_general3A_12 {offsets = [0, 64], sizes = [2000, 64], strides = [1, 1]} : vector<2000x128xf32> to vector<2000x64xf32>
    %concatenate3A_19 = tpu.concatenate %slice3A_18, %broadcast_in_dim3A_13, %broadcast_in_dim3A_15 in 1 : vector<2000x64xf32>, vector<2000x1xf32>, vector<2000x15xf32> -> vector<2000x80xf32>
    %swap3A_20 = arith.constant 0 : index
    %swap3A_21 = arith.constant 0 : index
    %swap3A_22 = vector.load %arg5[%swap3A_20, %swap3A_21] : memref<2000x80xf32, #tpu.memory_space<vmem>>, vector<2000x80xf32>
    tpu.vector_store %arg5[%swap3A_20, %swap3A_21], %concatenate3A_19 {strides = array<i32>} : memref<2000x80xf32, #tpu.memory_space<vmem>>, vector<2000x80xf32>,
    return
  }
  func.func @transform_0(%arg0: i32) -> (i32, i32) {
    %c0_i32 = arith.constant 0 : i32
    %c0_i32_0 = arith.constant 0 : i32
    return %arg0, %c0_i32 : i32, i32
  }
  func.func @transform_1(%arg0: i32) -> (i32, i32) {
    %c0_i32 = arith.constant 0 : i32
    %c0_i32_0 = arith.constant 0 : i32
    %c0_i32_1 = arith.constant 0 : i32
    return %c0_i32, %c0_i32_0 : i32, i32
  }
  func.func @transform_2(%arg0: i32) -> (i32, i32) {
    %c0_i32 = arith.constant 0 : i32
    %c0_i32_0 = arith.constant 0 : i32
    %c0_i32_1 = arith.constant 0 : i32
    return %c0_i32, %c0_i32_0 : i32, i32
  }
  func.func @transform_3(%arg0: i32) -> (i32, i32) {
    %c0_i32 = arith.constant 0 : i32
    %c0_i32_0 = arith.constant 0 : i32
    return %arg0, %c0_i32 : i32, i32
  }
  func.func @transform_4(%arg0: i32) -> (i32, i32) {
    %c0_i32 = arith.constant 0 : i32
    %c0_i32_0 = arith.constant 0 : i32
    return %arg0, %c0_i32 : i32, i32
  }
}

module attributes {stable_mosaic.version = 14 : i64} {
  func.func @_post_body(%arg0: i32, %arg1: memref<2000x80xf32, #tpu.memory_space<vmem>>, %arg2: memref<2000x80xf32, #tpu.memory_space<vmem>>, %arg3: memref<2000x128xf32, #tpu.memory_space<vmem>>, %arg4: memref<1x128xf32, #tpu.memory_space<vmem>>, %arg5: memref<1x128xf32, #tpu.memory_space<vmem>>, %arg6: memref<1x128xf32, #tpu.memory_space<vmem>>, %arg7: memref<1x128xf32, #tpu.memory_space<vmem>>, %arg8: memref<1x128xf32, #tpu.memory_space<vmem>>, %arg9: memref<128x128xf32, #tpu.memory_space<vmem>>, %arg10: memref<128x128xf32, #tpu.memory_space<vmem>>, %arg11: memref<128x128xf32, #tpu.memory_space<vmem>>, %arg12: memref<2000x128xf32, #tpu.memory_space<vmem>>) attributes {dimension_semantics = [#tpu.dimension_semantics<arbitrary>], iteration_bounds = array<i64: 5>, scalar_prefetch = 0 : i64, scratch_operands = 0 : i64, tpu.core_type = #tpu.core_type<tc>, window_params = [{transform_indices = @transform_0, window_bounds = array<i64: 2000, 80>}, {transform_indices = @transform_1, window_bounds = array<i64: 2000, 80>}, {transform_indices = @transform_2, window_bounds = array<i64: 2000, 128>}, {pipeline_mode = #tpu.pipeline_mode<synchronous>, transform_indices = @transform_3, window_bounds = array<i64: 1, 128>}, {pipeline_mode = #tpu.pipeline_mode<synchronous>, transform_indices = @transform_4, window_bounds = array<i64: 1, 128>}, {pipeline_mode = #tpu.pipeline_mode<synchronous>, transform_indices = @transform_5, window_bounds = array<i64: 1, 128>}, {pipeline_mode = #tpu.pipeline_mode<synchronous>, transform_indices = @transform_6, window_bounds = array<i64: 1, 128>}, {pipeline_mode = #tpu.pipeline_mode<synchronous>, transform_indices = @transform_7, window_bounds = array<i64: 1, 128>}, {pipeline_mode = #tpu.pipeline_mode<synchronous>, transform_indices = @transform_8, window_bounds = array<i64: 128, 128>}, {pipeline_mode = #tpu.pipeline_mode<synchronous>, transform_indices = @transform_9, window_bounds = array<i64: 128, 128>}, {pipeline_mode = #tpu.pipeline_mode<synchronous>, transform_indices = @transform_10, window_bounds = array<i64: 128, 128>}, {transform_indices = @transform_11, window_bounds = array<i64: 2000, 128>}]} {
    %get3A = arith.constant 0 : index
    %get3A_0 = arith.constant 0 : index
    %get3A_1 = vector.load %arg1[%get3A, %get3A_0] : memref<2000x80xf32, #tpu.memory_space<vmem>>, vector<2000x80xf32>
    %get3A_2 = arith.constant 0 : index
    %get3A_3 = arith.constant 0 : index
    %get3A_4 = vector.load %arg2[%get3A_2, %get3A_3] : memref<2000x80xf32, #tpu.memory_space<vmem>>, vector<2000x80xf32>
    %slice3A = vector.extract_strided_slice %get3A_1 {offsets = [0, 0], sizes = [2000, 64], strides = [1, 1]} : vector<2000x80xf32> to vector<2000x64xf32>
    %slice3A_5 = vector.extract_strided_slice %get3A_4 {offsets = [0, 0], sizes = [2000, 64], strides = [1, 1]} : vector<2000x80xf32> to vector<2000x64xf32>
    %concatenate3A = tpu.concatenate %slice3A, %slice3A_5 in 1 : vector<2000x64xf32>, vector<2000x64xf32> -> vector<2000x128xf32>
    %slice3A_6 = vector.extract_strided_slice %get3A_1 {offsets = [0, 64], sizes = [2000, 1], strides = [1, 1]} : vector<2000x80xf32> to vector<2000x1xf32>
    %max3A = arith.constant 1.000000e+00 : f32
    %max3A_7 = vector.broadcast %max3A : f32 to vector<2000x1xf32>
    %max3A_8 = arith.maximumf %slice3A_6, %max3A_7 : vector<2000x1xf32>
    %div3A = vector.broadcast %max3A_8 : vector<2000x1xf32> to vector<2000x128xf32>
    %div3A_9 = arith.divf %concatenate3A, %div3A : vector<2000x128xf32>
    %reduce_sum3A = arith.constant dense<0.000000e+00> : vector<2000xf32>
    %reduce_sum3A_10 = vector.multi_reduction <add>, %div3A_9, %reduce_sum3A [1] : vector<2000x128xf32> to vector<2000xf32>
    %broadcast_in_dim3A = vector.shape_cast %reduce_sum3A_10 : vector<2000xf32> to vector<2000x1xf32>
    %div3A_11 = arith.constant 1.280000e+02 : f32
    %div3A_12 = vector.broadcast %div3A_11 : f32 to vector<2000x1xf32>
    %div3A_13 = arith.divf %broadcast_in_dim3A, %div3A_12 : vector<2000x1xf32>
    %sub3A = vector.broadcast %div3A_13 : vector<2000x1xf32> to vector<2000x128xf32>
    %sub3A_14 = arith.subf %div3A_9, %sub3A : vector<2000x128xf32>
    %integer_pow3A = arith.mulf %sub3A_14, %sub3A_14 : vector<2000x128xf32>
    %reduce_sum3A_15 = arith.constant dense<0.000000e+00> : vector<2000xf32>
    %reduce_sum3A_16 = vector.multi_reduction <add>, %integer_pow3A, %reduce_sum3A_15 [1] : vector<2000x128xf32> to vector<2000xf32>
    %broadcast_in_dim3A_17 = vector.shape_cast %reduce_sum3A_16 : vector<2000xf32> to vector<2000x1xf32>
    %div3A_18 = arith.constant 1.280000e+02 : f32
    %div3A_19 = vector.broadcast %div3A_18 : f32 to vector<2000x1xf32>
    %div3A_20 = arith.divf %broadcast_in_dim3A_17, %div3A_19 : vector<2000x1xf32>
    %sub3A_21 = vector.broadcast %div3A_13 : vector<2000x1xf32> to vector<2000x128xf32>
    %sub3A_22 = arith.subf %div3A_9, %sub3A_21 : vector<2000x128xf32>
    %add3A = arith.constant 9.99999974E-6 : f32
    %add3A_23 = vector.broadcast %add3A : f32 to vector<2000x1xf32>
    %add3A_24 = arith.addf %div3A_20, %add3A_23 : vector<2000x1xf32>
    %rsqrt3A = math.rsqrt %add3A_24 : vector<2000x1xf32>
    %mul3A = vector.broadcast %rsqrt3A : vector<2000x1xf32> to vector<2000x128xf32>
    %mul3A_25 = arith.mulf %sub3A_22, %mul3A : vector<2000x128xf32>
    %get3A_26 = arith.constant 0 : index
    %get3A_27 = arith.constant 0 : index
    %get3A_28 = vector.load %arg5[%get3A_26, %get3A_27] : memref<1x128xf32, #tpu.memory_space<vmem>>, vector<1x128xf32>
    %mul3A_29 = vector.broadcast %get3A_28 : vector<1x128xf32> to vector<2000x128xf32>
    %mul3A_30 = arith.mulf %mul3A_25, %mul3A_29 : vector<2000x128xf32>
    %get3A_31 = arith.constant 0 : index
    %get3A_32 = arith.constant 0 : index
    %get3A_33 = vector.load %arg6[%get3A_31, %get3A_32] : memref<1x128xf32, #tpu.memory_space<vmem>>, vector<1x128xf32>
    %add3A_34 = vector.broadcast %get3A_33 : vector<1x128xf32> to vector<2000x128xf32>
    %add3A_35 = arith.addf %mul3A_30, %add3A_34 : vector<2000x128xf32>
    %get3A_36 = arith.constant 0 : index
    %get3A_37 = arith.constant 0 : index
    %get3A_38 = vector.load %arg3[%get3A_36, %get3A_37] : memref<2000x128xf32, #tpu.memory_space<vmem>>, vector<2000x128xf32>
    %sub3A_39 = arith.subf %get3A_38, %add3A_35 : vector<2000x128xf32>
    %get3A_40 = arith.constant 0 : index
    %get3A_41 = arith.constant 0 : index
    %get3A_42 = vector.load %arg4[%get3A_40, %get3A_41] : memref<1x128xf32, #tpu.memory_space<vmem>>, vector<1x128xf32>
    %mul3A_43 = vector.broadcast %get3A_42 : vector<1x128xf32> to vector<2000x128xf32>
    %mul3A_44 = arith.mulf %sub3A_39, %mul3A_43 : vector<2000x128xf32>
    %add3A_45 = arith.addf %get3A_38, %mul3A_44 : vector<2000x128xf32>
    %reduce_sum3A_46 = arith.constant dense<0.000000e+00> : vector<2000xf32>
    %reduce_sum3A_47 = vector.multi_reduction <add>, %add3A_45, %reduce_sum3A_46 [1] : vector<2000x128xf32> to vector<2000xf32>
    %broadcast_in_dim3A_48 = vector.shape_cast %reduce_sum3A_47 : vector<2000xf32> to vector<2000x1xf32>
    %div3A_49 = arith.constant 1.280000e+02 : f32
    %div3A_50 = vector.broadcast %div3A_49 : f32 to vector<2000x1xf32>
    %div3A_51 = arith.divf %broadcast_in_dim3A_48, %div3A_50 : vector<2000x1xf32>
    %sub3A_52 = vector.broadcast %div3A_51 : vector<2000x1xf32> to vector<2000x128xf32>
    %sub3A_53 = arith.subf %add3A_45, %sub3A_52 : vector<2000x128xf32>
    %integer_pow3A_54 = arith.mulf %sub3A_53, %sub3A_53 : vector<2000x128xf32>
    %reduce_sum3A_55 = arith.constant dense<0.000000e+00> : vector<2000xf32>
    %reduce_sum3A_56 = vector.multi_reduction <add>, %integer_pow3A_54, %reduce_sum3A_55 [1] : vector<2000x128xf32> to vector<2000xf32>
    %broadcast_in_dim3A_57 = vector.shape_cast %reduce_sum3A_56 : vector<2000xf32> to vector<2000x1xf32>
    %div3A_58 = arith.constant 1.280000e+02 : f32
    %div3A_59 = vector.broadcast %div3A_58 : f32 to vector<2000x1xf32>
    %div3A_60 = arith.divf %broadcast_in_dim3A_57, %div3A_59 : vector<2000x1xf32>
    %sub3A_61 = vector.broadcast %div3A_51 : vector<2000x1xf32> to vector<2000x128xf32>
    %sub3A_62 = arith.subf %add3A_45, %sub3A_61 : vector<2000x128xf32>
    %add3A_63 = arith.constant 9.99999974E-6 : f32
    %add3A_64 = vector.broadcast %add3A_63 : f32 to vector<2000x1xf32>
    %add3A_65 = arith.addf %div3A_60, %add3A_64 : vector<2000x1xf32>
    %rsqrt3A_66 = math.rsqrt %add3A_65 : vector<2000x1xf32>
    %mul3A_67 = vector.broadcast %rsqrt3A_66 : vector<2000x1xf32> to vector<2000x128xf32>
    %mul3A_68 = arith.mulf %sub3A_62, %mul3A_67 : vector<2000x128xf32>
    %get3A_69 = arith.constant 0 : index
    %get3A_70 = arith.constant 0 : index
    %get3A_71 = vector.load %arg7[%get3A_69, %get3A_70] : memref<1x128xf32, #tpu.memory_space<vmem>>, vector<1x128xf32>
    %mul3A_72 = vector.broadcast %get3A_71 : vector<1x128xf32> to vector<2000x128xf32>
    %mul3A_73 = arith.mulf %mul3A_68, %mul3A_72 : vector<2000x128xf32>
    %get3A_74 = arith.constant 0 : index
    %get3A_75 = arith.constant 0 : index
    %get3A_76 = vector.load %arg8[%get3A_74, %get3A_75] : memref<1x128xf32, #tpu.memory_space<vmem>>, vector<1x128xf32>
    %add3A_77 = vector.broadcast %get3A_76 : vector<1x128xf32> to vector<2000x128xf32>
    %add3A_78 = arith.addf %mul3A_73, %add3A_77 : vector<2000x128xf32>
    %get3A_79 = arith.constant 0 : index
    %get3A_80 = arith.constant 0 : index
    %get3A_81 = vector.load %arg9[%get3A_79, %get3A_80] : memref<128x128xf32, #tpu.memory_space<vmem>>, vector<128x128xf32>
    %dot_general3A = arith.constant dense<0.000000e+00> : vector<2000x128xf32>
    %dot_general3A_82 = tpu.matmul %add3A_78, %get3A_81, %dot_general3A {dimension_numbers = #tpu.dot_dimension_numbers<[1], [0], [0], [1], [0, 0, 1, 1], [], []>, transpose_lhs_hint = false} : vector<2000x128xf32>, vector<128x128xf32>, vector<2000x128xf32> -> vector<2000x128xf32>
    %get3A_83 = arith.constant 0 : index
    %get3A_84 = arith.constant 0 : index
    %get3A_85 = vector.load %arg10[%get3A_83, %get3A_84] : memref<128x128xf32, #tpu.memory_space<vmem>>, vector<128x128xf32>
    %dot_general3A_86 = arith.constant dense<0.000000e+00> : vector<2000x128xf32>
    %dot_general3A_87 = tpu.matmul %add3A_35, %get3A_85, %dot_general3A_86 {dimension_numbers = #tpu.dot_dimension_numbers<[1], [0], [0], [1], [0, 0, 1, 1], [], []>, transpose_lhs_hint = false} : vector<2000x128xf32>, vector<128x128xf32>, vector<2000x128xf32> -> vector<2000x128xf32>
    %add3A_88 = arith.addf %dot_general3A_82, %dot_general3A_87 : vector<2000x128xf32>
    %max3A_89 = arith.constant 0.000000e+00 : f32
    %max3A_90 = vector.broadcast %max3A_89 : f32 to vector<2000x128xf32>
    %max3A_91 = arith.maximumf %add3A_88, %max3A_90 : vector<2000x128xf32>
    %get3A_92 = arith.constant 0 : index
    %get3A_93 = arith.constant 0 : index
    %get3A_94 = vector.load %arg11[%get3A_92, %get3A_93] : memref<128x128xf32, #tpu.memory_space<vmem>>, vector<128x128xf32>
    %dot_general3A_95 = arith.constant dense<0.000000e+00> : vector<2000x128xf32>
    %dot_general3A_96 = tpu.matmul %max3A_91, %get3A_94, %dot_general3A_95 {dimension_numbers = #tpu.dot_dimension_numbers<[1], [0], [0], [1], [0, 0, 1, 1], [], []>, transpose_lhs_hint = false} : vector<2000x128xf32>, vector<128x128xf32>, vector<2000x128xf32> -> vector<2000x128xf32>
    %swap3A = arith.constant 0 : index
    %swap3A_97 = arith.constant 0 : index
    %swap3A_98 = vector.load %arg12[%swap3A, %swap3A_97] : memref<2000x128xf32, #tpu.memory_space<vmem>>, vector<2000x128xf32>
    tpu.vector_store %arg12[%swap3A, %swap3A_97], %dot_general3A_96 {strides = array<i32>} : memref<2000x128xf32, #tpu.memory_space<vmem>>, vector<2000x128xf32>,
    return
  }
  func.func @transform_0(%arg0: i32) -> (i32, i32) {
    %c0_i32 = arith.constant 0 : i32
    %c0_i32_0 = arith.constant 0 : i32
    return %arg0, %c0_i32 : i32, i32
  }
  func.func @transform_1(%arg0: i32) -> (i32, i32) {
    %c0_i32 = arith.constant 0 : i32
    %c0_i32_0 = arith.constant 0 : i32
    return %arg0, %c0_i32 : i32, i32
  }
  func.func @transform_2(%arg0: i32) -> (i32, i32) {
    %c0_i32 = arith.constant 0 : i32
    %c0_i32_0 = arith.constant 0 : i32
    return %arg0, %c0_i32 : i32, i32
  }
  func.func @transform_3(%arg0: i32) -> (i32, i32) {
    %c0_i32 = arith.constant 0 : i32
    %c0_i32_0 = arith.constant 0 : i32
    %c0_i32_1 = arith.constant 0 : i32
    return %c0_i32, %c0_i32_0 : i32, i32
  }
  func.func @transform_4(%arg0: i32) -> (i32, i32) {
    %c0_i32 = arith.constant 0 : i32
    %c0_i32_0 = arith.constant 0 : i32
    %c0_i32_1 = arith.constant 0 : i32
    return %c0_i32, %c0_i32_0 : i32, i32
  }
  func.func @transform_5(%arg0: i32) -> (i32, i32) {
    %c0_i32 = arith.constant 0 : i32
    %c0_i32_0 = arith.constant 0 : i32
    %c0_i32_1 = arith.constant 0 : i32
    return %c0_i32, %c0_i32_0 : i32, i32
  }
  func.func @transform_6(%arg0: i32) -> (i32, i32) {
    %c0_i32 = arith.constant 0 : i32
    %c0_i32_0 = arith.constant 0 : i32
    %c0_i32_1 = arith.constant 0 : i32
    return %c0_i32, %c0_i32_0 : i32, i32
  }
  func.func @transform_7(%arg0: i32) -> (i32, i32) {
    %c0_i32 = arith.constant 0 : i32
    %c0_i32_0 = arith.constant 0 : i32
    %c0_i32_1 = arith.constant 0 : i32
    return %c0_i32, %c0_i32_0 : i32, i32
  }
  func.func @transform_8(%arg0: i32) -> (i32, i32) {
    %c0_i32 = arith.constant 0 : i32
    %c0_i32_0 = arith.constant 0 : i32
    %c0_i32_1 = arith.constant 0 : i32
    return %c0_i32, %c0_i32_0 : i32, i32
  }
  func.func @transform_9(%arg0: i32) -> (i32, i32) {
    %c0_i32 = arith.constant 0 : i32
    %c0_i32_0 = arith.constant 0 : i32
    %c0_i32_1 = arith.constant 0 : i32
    return %c0_i32, %c0_i32_0 : i32, i32
  }
  func.func @transform_10(%arg0: i32) -> (i32, i32) {
    %c0_i32 = arith.constant 0 : i32
    %c0_i32_0 = arith.constant 0 : i32
    %c0_i32_1 = arith.constant 0 : i32
    return %c0_i32, %c0_i32_0 : i32, i32
  }
  func.func @transform_11(%arg0: i32) -> (i32, i32) {
    %c0_i32 = arith.constant 0 : i32
    %c0_i32_0 = arith.constant 0 : i32
    return %arg0, %c0_i32 : i32, i32
  }
}

</mosaic_0001>

<sc_bundles>
// kernel: kernel.5.cloned.1.call-start
scs
__scs_entry_jumppad:
0x0: {  	(pc) =	sbr.rel $0x88, $3  }
0x1: {  	(tag) =	ssettag $0x0;
	lr =	simm.s32 $0x1  }
0x2: {  	[smem:$0x3F96] =	sst lr;
	_ =	strace $0xD0000000  }
0x3: {  	_ = 	snop  }
0x4: {  	_ = 	snop  }
0x5: {  	_ = 	snop  }
0x6: {  	_ = 	snop  }
0x7: {  	_ = 	snop  }
__scs_overlays_trampoline_lowered:
0x8: {  	[smem:$0x3FA5] =	sst s0  }
0x9: {  	[smem:$0x3FA6] =	sst s1  }
0xa: {  	[smem:$0x3FA7] =	sst s2  }
0xb: {  	[smem:$0x3FA8] =	sst s3  }
0xc: {  	[smem:$0x3FA9] =	sst s4  }
0xd: {  	[smem:$0x3FAA] =	sst s5  }
0xe: {  	[smem:$0x3FAB] =	sst s6  }
0xf: {  	[smem:$0x3FAC] =	sst s7  }
0x10: {  	[smem:$0x3FAD] =	sst s8  }
0x11: {  	[smem:$0x3FAE] =	sst s9;
	s0 =	simm.s32 @!p0 $0x0  }
0x12: {  	s1 =	sld [smem:$0x3F94];
	s0 =	simm.s32 @p0 $0x1  }
0x13: {  	[smem:$0x3FAF] =	sst s0;
	s0 =	simm.s32 @!p1 $0x0  }
0x14: {  	s2 =	sld [smem:$0x3F93];
	s0 =	simm.s32 @p1 $0x1  }
0x15: {  	[smem:$0x3FB0] =	sst s0;
	s0 =	simm.s32 @!p2 $0x0  }
0x16: {  	s3 =	sld [smem:$0x3FDB];
	s0 =	simm.s32 @p2 $0x1  }
0x17: {  	s4 =	simm.s32 $0x1BF5;
	[smem:$0x3FB2] =	sst s0  }
0x18: {  	s0 =	sld [smem:$0x3F95];
	_ =	swait.ge [sflag:s4], $0x0  }
0x19: {  	s7 =	sld [smem:$0x3F96]  }
0x1a: {  	s8 =	sadd.s32 $0xFFFFE003, lr  }
0x1b: {  	s9 =	sadd.s32 $0xFFFFFEF7, lr;
	s5 =	simm.s32 $0xFFFFFFFF;
	p2 =	slt.u32 s8, $0xFFFFF086  }
0x1c: {  	p1 =	slt.u32 s9, $0xF7A;
	s5 =	simm.s32 @!p2 $0x0  }
0x1d: {  	s5 =	simm.s32 @p1 $0x1;
	p0 =	seq.s32 s7, s2  }
0x1e: {  	s7 =	smul.u32 @!p0 $0xF7A, s2;
	p2 =	seq.s32 @!p0 s5, $0x0  }
0x1f: {  	s9 =	smul.u32 $0xF7A, s1;
	s8 =	simm.s32 @!p0 $0x1BF5;
	p2 =	por !p2, p0  }
0x20: {  	[sflag:s8] =	ssyncset.s32 @!p0 $0xFFFFF086;
	s6 =	sadd.s32 @!p0 s3, s7;
	s7 =	simm.s32 @!p0 $0x108  }
0x21: {  	s3 =	sadd.s32 s3, s9;
	s6 =	sadd.s32 @!p0 $0x88, s6;
	s7 =	simm.s32 @p2 $0x1082  }
0x22: {  	[simem:s7], [sflag:s8] =	dma.local @!p0 [hbm:s6], $0xF7A  }
0x23: {  	s9 =	sor.u32 $0xD0000000, s2;
	s6 =	simm.s32 $0x108;
	_ =	swait.ge @!p0 [sflag:s8], $0x0  }
0x24: {  	s3 =	sadd.s32 $0x88, s3;
	s6 =	simm.s32 @!p1 $0x1082;
	[sflag:s4] =	ssyncset.s32 $0xFFFFF086  }
0x25: {  	[simem:s6], [sflag:s4] =	dma.local [hbm:s3], $0xF7A  }
0x26: {  	[smem:$0x3F96] =	sst s1;
	(tag) =	ssettag s2;
	_ =	strace s9  }
0x27: {  	s1 =	sld [smem:$0x3FA6]  }
0x28: {  	s2 =	sld [smem:$0x3FA7]  }
0x29: {  	s4 =	sld [smem:$0x3FA9]  }
0x2a: {  	p0 =	seq.s32 s5, $0x0;
	s5 =	sld [smem:$0x3FAA]  }
0x2b: {  	s6 =	sld [smem:$0x3FAB]  }
0x2c: {  	s7 =	sld [smem:$0x3FAC]  }
0x2d: {  	s3 =	simm.s32 $0x108;
	s8 =	sld [smem:$0x3FAD]  }
0x2e: {  	s3 =	simm.s32 @!p0 $0x1082;
	s9 =	sld [smem:$0x3FAE]  }
0x2f: {  	lr =	sadd.s32 s0, s3;
	s0 =	sld [smem:$0x3FA5]  }
0x30: {  	s3 =	sld [smem:$0x3FA8]  }
0x31: {  	[smem:$0x3FB1] =	sst s10  }
0x32: {  	s10 =	sld [smem:$0x3FAF];
	_ =	sdelay $0x3  }
0x33: {  	p0 =	seq.s32 s10, $0x1;
	s10 =	sld [smem:$0x3FB1];
	_ =	sdelay $0x3  }
0x34: {  	[smem:$0x3FB1] =	sst s10  }
0x35: {  	s10 =	sld [smem:$0x3FB0];
	_ =	sdelay $0x3  }
0x36: {  	p1 =	seq.s32 s10, $0x1;
	s10 =	sld [smem:$0x3FB1];
	_ =	sdelay $0x3  }
0x37: {  	[smem:$0x3FB1] =	sst s10  }
0x38: {  	s10 =	sld [smem:$0x3FB2]  }
0x39: {  	_ = 	snop;
	(pc) =	sbr.ind lr, $3  }
0x3a: {  	_ = 	snop  }
0x3b: {  	_ = 	snop  }
0x3c: {  	p2 =	seq.s32 s10, $0x1;
	s10 =	sld [smem:$0x3FB1]  }
0x3d: {  	_ =	shalt  }
0x3e: {  	_ =	shalt  }
0x3f: {  	_ =	shalt  }
0x40: {  	_ =	shalt  }
0x41: {  	_ =	shalt  }
0x42: {  	_ =	shalt  }
0x43: {  	_ =	shalt  }
0x44: {  	_ =	shalt  }
0x45: {  	_ =	shalt  }
0x46: {  	_ =	shalt  }
0x47: {  	_ =	shalt  }
0x48: {  	_ =	shalt  }
0x49: {  	_ =	shalt  }
0x4a: {  	_ =	shalt  }
0x4b: {  	_ =	shalt  }
0x4c: {  	_ =	shalt  }
0x4d: {  	_ =	shalt  }
0x4e: {  	_ =	shalt  }
0x4f: {  	_ =	shalt  }
0x50: {  	_ =	shalt  }
0x51: {  	_ =	shalt  }
0x52: {  	_ =	shalt  }
0x53: {  	_ =	shalt  }
0x54: {  	_ =	shalt  }
0x55: {  	_ =	shalt  }
0x56: {  	_ =	shalt  }
0x57: {  	_ =	shalt  }
0x58: {  	_ =	shalt  }
0x59: {  	_ =	shalt  }
0x5a: {  	_ =	shalt  }
0x5b: {  	_ =	shalt  }
0x5c: {  	_ =	shalt  }
0x5d: {  	_ =	shalt  }
0x5e: {  	_ =	shalt  }
0x5f: {  	_ =	shalt  }
0x60: {  	_ =	shalt  }
0x61: {  	_ =	shalt  }
0x62: {  	_ =	shalt  }
0x63: {  	_ =	shalt  }
0x64: {  	_ =	shalt  }
0x65: {  	_ =	shalt  }
0x66: {  	_ =	shalt  }
0x67: {  	_ =	shalt  }
0x68: {  	_ =	shalt  }
0x69: {  	_ =	shalt  }
0x6a: {  	_ =	shalt  }
0x6b: {  	_ =	shalt  }
0x6c: {  	_ =	shalt  }
0x6d: {  	_ =	shalt  }
0x6e: {  	_ =	shalt  }
0x6f: {  	_ =	shalt  }
0x70: {  	_ =	shalt  }
0x71: {  	_ =	shalt  }
0x72: {  	_ =	shalt  }
0x73: {  	_ =	shalt  }
0x74: {  	_ =	shalt  }
0x75: {  	_ =	shalt  }
0x76: {  	_ =	shalt  }
0x77: {  	_ =	shalt  }
0x78: {  	_ =	shalt  }
0x79: {  	_ =	shalt  }
0x7a: {  	_ =	shalt  }
0x7b: {  	_ =	shalt  }
0x7c: {  	_ =	shalt  }
0x7d: {  	_ =	shalt  }
0x7e: {  	_ =	shalt  }
0x7f: {  	_ =	shalt  }
0x80: {  	_ =	shalt  }
0x81: {  	_ =	shalt  }
0x82: {  	_ =	shalt  }
0x83: {  	_ =	shalt  }
0x84: {  	_ =	shalt  }
0x85: {  	_ =	shalt  }
0x86: {  	_ =	shalt  }
0x87: {  	_ =	shalt  }
.Lfunc_end0:
.L_simem_size_0:
called_computation_lowered:
.L_overlay_start_0:
0x88: {  	s2 =	sld [smem:$0x3FD9]  }
0x89: {  	s3 =	sld [smem:$0x3FFE];
	_ =	sdelay $0x1  }
0x8a: {  	s1 =	srdreg.scid  }
0x8b: {  	s0 =	sand.u32 $0x1, s1  }
0x8c: {  	s17 =	sshll.u32 s0, $0xA;
	s2 =	sadd.s32 s3, s2  }
0x8d: {  	s2 =	sadd.s32 s2, s17  }
0x8e: {  	[smem:$0x3FBD] =	sst s2  }
0x8f: {  	_ = 	snop  }
0x90: {  	s2 =	sld [smem:$0x3FD0];
	(tm) =	ssettm $0x1  }
0x91: {  	s18 =	sld [smem:$0x3FFB];
	_ =	sdelay $0x3  }
0x92: {  	_ =	strace s18  }
0x93: {  	s3 =	sld [smem:$0x3FFC];
	_ =	sdelay $0x3  }
0x94: {  	_ =	strace s3  }
0x95: {  	s3 =	sld [smem:$0x3FFD];
	_ =	sdelay $0x3  }
0x96: {  	_ =	strace s3  }
0x97: {  	_ =	strace $0x8FFFFFFF  }
0x98: {  	s19 =	sld [smem:$0x3FDB];
	_ =	sdelay $0x1  }
0x99: {  	s4 =	simm.s32 $_scs_section_size  }
0x9a: {  	s5 =	simm.s32 $_size__tile_overlayer_lowered;
	s6 =	simm.s32 $_tile_overlayer_lowered  }
0x9b: {  	s22 =	simm.s32 $0x1BFF;
	s21 =	sshll.u32 s6, $0x1;
	s3 =	sadd.s32 s4, s19  }
0x9c: {  	s7 =	simm.s32 $0x0;
	s20 =	sshll.u32 s5, $0x1;
	s5 =	sadd.s32 s21, s3  }
0x9d: {  	[timem:s7], [sflag:s22] =	dma.local [hbm:s5], s20  }
0x9e: {  	_ =	swait.ge [sflag:s22], s20  }
0x9f: {  	s4 =	ssub.s32 $0x0, s20;
	[sflag:s22] =	ssyncset.done $0x0  }
0xa0: {  	[sflag:s22] =	ssyncadd.s32 s4;
	_ =	sdelay $0x1  }
0xa1: {  	s23 =	simm.s32 $0x1B8B  }
0xa2: {  	_ =	swait.ge [sflag:s23], $0x1  }
0xa3: {  	[sflag:s23] =	ssyncset.done $0x0  }
0xa4: {  	s25 =	simm.s32 $0x1B8E;
	s24 =	sld [smem:$0x3FFE];
	[sflag:s23] =	ssyncadd.s32 $0xFFFFFFFF  }
0xa5: {  	s26 =	simm.s32 $execute0_lowered;
	[smem:$0x3FD2] =	sst s25  }
0xa6: {  	s5 =	sshll.u32 s26, $0x1;
	_ =	strace $0x80000046;
	[dreg:$0x1] =	wrdreg $0xFFFFFFFF  }
0xa7: {  	s28 =	simm.s32 $_size_execute0_lowered;
	s3 =	sadd.s32 s3, s5;
	[dreg:$0x0] =	wrdreg $0x0  }
0xa8: {  	s5 =	sshll.u32 s28, $0x1;
	[dreg:$0x2] =	wrdreg s3  }
0xa9: {  	[dreg:$0x3] =	wrdreg s5  }
0xaa: {  	[dreg:$0x4] =	wrdreg $0xC0  }
0xab: {  	_ =	task [dreg:s7], $0x5FFFF  }
0xac: {  	[dreg:$0x1] =	wrdreg $0xFFFFFFFF  }
0xad: {  	[dreg:$0x0] =	wrdreg $0x60  }
0xae: {  	[dreg:$0x2] =	wrdreg s24  }
0xaf: {  	[dreg:$0x3] =	wrdreg s2  }
0xb0: {  	[dreg:$0x4] =	wrdreg $0xB0000  }
0xb1: {  	[dreg:$0x5] =	wrdreg $0x9  }
0xb2: {  	_ =	task.clear_ibuf [dreg:s7], $0x6FFFF;
	_ =	strace $0x90000046  }
0xb3: {  	s29 =	simm.s32 $0x9;
	_ =	strace $0x80000048  }
0xb4: {  	_ =	swait.ge [sflag:s29], $0x1  }
0xb5: {  	[sflag:s29] =	ssyncadd.s32 $0xFFFFFFFF  }
0xb6: {  	_ =	strace $0x90000048  }
0xb7: {  	_ =	sfence  }
0xb8: {  	s30 =	sld [smem:$0x0];
	_ =	sdelay $0x2  }
0xb9: {  	s31 =	sshll.u32 s1, $0xD;
	s1 =	sshrl.u32 s1, $0x2  }
0xba: {  	s3 =	sand.u32 $0x4000, s31;
	s1 =	sadd.s32 s1, s30  }
0xbb: {  	s0 =	sor.u32 s3, s0;
	s1 =	sshll.u32 s1, $0x11  }
0xbc: {  	s0 =	sor.u32 s1, s0  }
0xbd: {  	s0 =	sadd.s32 $0x8F2B, s0  }
0xbe: {  	[sflag:s0] =	ssyncadd.remote.s32 $0x1  }
0xbf: {  	_ =	sfence.sel $0xFFFF  }
0xc0: {  	[dreg:$0x0] =	wrdreg $0xFFFFFFFF;
	(pc) =	sbr.abs _section_cstart, $3  }
0xc1: {  	[dreg:$0x1] =	wrdreg $0xFFFFFFFF  }
0xc2: {  	_ =	task.clear_ibuf [dreg:s7], $0x2FFFF;
	_ =	strace $0x9FFFFFFF  }
0xc3: {  	(tm) =	ssettm $0x7FFFFFFF  }
tec
execute0_lowered:
.L_overlay_start_1:
0x0: {  	(tag) =	ssettag $0x1  }
0x1: {  	s0 =	rddreg [dreg:$0x0]  }
0x2: {  	s1 =	rddreg [dreg:$0x1]  }
0x3: {  	s2 =	rddreg [dreg:$0x2];
	s4 =	srdreg.scid  }
0x4: {  	s14 =	stileid.u32;
	s3 =	simm.s32 $0x0;
	s19 =	simm.s32 $0xA180  }
0x5: {  	s20 =	simm.s32 $0xA500;
	s22 =	simm.s32 $0xA200;
	s23 =	simm.s32 $0xA580  }
0x6: {  	s25 =	simm.s32 $0xA280;
	s26 =	simm.s32 $0xA600;
	s28 =	simm.s32 $0x6  }
0x7: {  	s29 =	simm.s32 $0x7;
	s30 =	simm.s32 $0x2;
	[smem:$0x7FF] =	sst s3  }
0x8: {  	s31 =	simm.s32 $0x8;
	_ =	strace $0x80000047;
	[dreg:$0x6] =	wrdreg s19  }
0x9: {  	s5 =	sand.u32 $0x1, s4;
	s6 =	smul.u32 $0xC580, s14;
	[dreg:$0x7] =	wrdreg s20  }
0xa: {  	s4 =	sadd.s32 $0x1800, s0;
	s9 =	sadd.s32 $0x32600, s0;
	[dreg:$0x8] =	wrdreg s22  }
0xb: {  	s10 =	smul.u32 $0x5000, s14;
	s11 =	sadd.s32 $0x46600, s0;
	[dreg:$0x9] =	wrdreg s23  }
0xc: {  	s18 =	sshll.u32 s14, $0x6;
	s7 =	smul.u32 $0xC5800, s5;
	[dreg:$0xa] =	wrdreg s25  }
0xd: {  	s8 =	smul.u32 $0x50000, s5;
	[dreg:$0xb] =	wrdreg s26;
	s19 =	simm.s32 $0xAD00  }
0xe: {  	s5 =	ssub.s32 $0x2, s5;
	s20 =	simm.s32 $0xAA00;
	[dreg:$0x15] =	wrdreg s19  }
0xf: {  	s22 =	simm.s32 $0xAA80;
	s23 =	simm.s32 $0xAE00;
	[dreg:$0x16] =	wrdreg s20  }
0x10: {  	s25 =	simm.s32 $0xAE80;
	s26 =	simm.s32 $0xAF80;
	[dreg:$0x18] =	wrdreg s22  }
0x11: {  	s12 =	sshrl.u32 s5, $0x1;
	s16 =	sadd.s32 s6, s2;
	[dreg:$0x19] =	wrdreg s23  }
0x12: {  	s24 =	sshrl.u32 s10, $0x3;
	s19 =	simm.s32 $0x1;
	[dreg:$0x1b] =	wrdreg s25  }
0x13: {  	[dreg:$0x1c] =	wrdreg s26;
	s7 =	sadd.s32 s6, s7;
	s8 =	sadd.s32 s10, s8  }
0x14: {  	s5 =	ssub.s32 s5, s12;
	s6 =	sshrl.u32 s6, $0x3;
	s10 =	simm.s32 $0xA380  }
0x15: {  	s7 =	sshrl.u32 s7, $0x3;
	s15 =	sor.u32 $0x800, s8;
	s13 =	sor.u32 $0x400, s8  }
0x16: {  	s1 =	sadd.s32 s1, s6;
	s6 =	sor.u32 $0x1C0A, s18;
	[dreg:$0xe] =	wrdreg s10  }
0x17: {  	s21 =	sshrl.u32 s8, $0x3;
	s5 =	smax.u32 s5, $0x1;
	[dreg:$0x1d] =	wrdreg s1  }
0x18: {  	s8 =	smul.u32 $0xA00, s14;
	s14 =	simm.s32 $0xA780;
	[smem:$0x7FC] =	sst s5  }
0x19: {  	s18 =	simm.s32 $0xA980;
	s0 =	sadd.s32 s7, s0;
	[dreg:$0x10] =	wrdreg s14  }
0x1a: {  	s7 =	sshrl.u32 s15, $0x3;
	s15 =	simm.s32 $0xA880;
	[dreg:$0x14] =	wrdreg s18  }
0x1b: {  	s13 =	sshrl.u32 s13, $0x3;
	s7 =	sadd.s32 s7, s9;
	[dreg:$0x11] =	wrdreg s15  }
0x1c: {  	s20 =	simm.s32 $0x7800;
	s17 =	sadd.s32 s13, s9;
	[dreg:$0x4] =	wrdreg s7  }
0x1d: {  	s22 =	simm.s32 $0x5000;
	s0 =	sadd.s32 $0x50600, s0;
	[dreg:$0x5] =	wrdreg s17  }
0x1e: {  	s23 =	simm.s32 $0x5;
	s13 =	simm.s32 $0xA700;
	[smem:$0x7FB] =	sst s0  }
0x1f: {  	s25 =	simm.s32 $0xAC00;
	s7 =	sadd.s32 s9, s21;
	[dreg:$0xf] =	wrdreg s13  }
0x20: {  	s26 =	simm.s32 $0x4;
	s9 =	simm.s32 $0xA680;
	[dreg:$0x1e] =	wrdreg s7  }
0x21: {  	s18 =	simm.s32 $0x2800;
	s17 =	simm.s32 $0xAC80;
	[dreg:$0xd] =	wrdreg s9  }
0x22: {  	s1 =	simm.s32 $0x0;
	s21 =	simm.s32 $0xAD80;
	[dreg:$0x13] =	wrdreg s17  }
0x23: {  	s15 =	simm.s32 $0xA400;
	s7 =	sadd.s32 s11, s24;
	[dreg:$0x17] =	wrdreg s21  }
0x24: {  	s13 =	simm.s32 $0xA;
	s24 =	simm.s32 $0xAB00;
	[dreg:$0x1f] =	wrdreg s7  }
0x25: {  	s0 =	simm.s32 $0x9;
	s7 =	simm.s32 $0xA300;
	[dreg:$0x1a] =	wrdreg s24  }
0x26: {  	[dreg:$0xc] =	wrdreg s7;
	s7 =	sshrl.u32 s16, $0x3;
	s16 =	simm.s32 $0xA900  }
0x27: {  	s11 =	sadd.s32 s8, s11;
	s21 =	simm.s32 $0x3;
	[dreg:$0x12] =	wrdreg s16  }
0x28: {  	s24 =	simm.s32 $0xA800;
	s16 =	simm.s32 $0x80;
	[smem:$0x7FD] =	sst s7  }
.LBB2_1:
0x29: {  	s5 =	rddreg [dreg:$0x1d]  }
0x2a: {  	[spmem:s7], [sflag:s6] =	dma.local [hbm:s5], $0x18B0  }
0x2b: {  	_ =	swait.ge [sflag:s13], $0x18B0  }
0x2c: {  	[sflag:s13] =	ssyncset.done $0x0  }
0x2d: {  	s14 =	simm.s32 $0xA000;
	s10 =	rddreg [dreg:$0x1e];
	[sflag:s13] =	ssyncadd.s32 $0xFFFFE750  }
0x2e: {  	[tilespmem:s14], [sflag:$0xA] =	stream.linear.gather [hbm4b:s10+s3], $0x400, $0x38;
	[tilespmem:$0x17580] =	vst v63  }
0x2f: {  	_ =	swait.ge [sflag:s13], $0x400  }
0x30: {  	[sflag:s13] =	ssyncset.done $0x0  }
0x31: {  	s17 =	rddreg [dreg:$0x1f];
	[sflag:s13] =	ssyncadd.s32 $0xFFFFFC00  }
0x32: {  	[tilespmem:s15], [sflag:$0xA] =	stream.linear.gather [hbm4b:s17+s3], $0x400, $0x38;
	[tilespmem:$0x17580] =	vst v63  }
0x33: {  	_ =	swait.ge [sflag:s13], $0x400  }
0x34: {  	[sflag:s13] =	ssyncset.done $0x0  }
0x35: {  	[sflag:s13] =	ssyncadd.s32 $0xFFFFFC00  }
0x36: {  	[bflag:$0x0] =	sbarrier.arrive $0xFFFF  }
0x37: {  	[tilespmem:s3], [sflag:$0x1] =	stream.indirect.gather [hbm4b:s4+s16], $0x50, s14, s16, $0xb8;
	[tilespmem:$0x17580] =	vst v63  }
0x38: {  	s12 =	smov.u32 s6;
	s6 =	simm.s32 $0xA080  }
0x39: {  	[tilespmem:s18], [sflag:$0x2] =	stream.indirect.gather [hbm4b:s4+s16], $0x50, s6, s16, $0xb8;
	[tilespmem:$0x17580] =	vst v63  }
0x3a: {  	_ =	swait.ge [sflag:s19], $0x2800  }
0x3b: {  	p0 =	por $0x1, $0x1;
	[sflag:s19] =	ssyncset.done $0x0  }
0x3c: {  	s5 =	simm.s32 @p0 $0xA100;
	[sflag:s19] =	ssyncadd.s32 $0xFFFFD800  }
0x3d: {  	[spmem:s2] =	stream.indirect.scatter.add.f32 [tilespmem:s3], [sflag:$0x5], $0x50, s15, s16, $0xb8;
	[tilespmem:$0x17580] =	vst v63  }
0x3e: {  	s7 =	simm.s32 @p0 $0x5000;
	s8 =	simm.s32 @p0 $0x80;
	s9 =	simm.s32 @p0 $0x2  }
0x3f: {  	[tilespmem:s7], [sflag:$0x3] =	stream.indirect.gather @p0 [hbm4b:s4+s8], $0x50, s5, s8, $0xb8;
	[tilespmem:$0x17580] =	vst v63  }
0x40: {  	_ =	swait.ge @p0 [sflag:s9], $0x2800  }
0x41: {  	s5 =	simm.s32 @p0 $0xA480;
	[sflag:s9] =	ssyncset.done @p0 $0x0  }
0x42: {  	s7 =	simm.s32 @p0 $0x2800;
	[sflag:s9] =	ssyncadd.s32 @p0 $0xFFFFD800;
	s9 =	simm.s32 @!p0 $0x7  }
0x43: {  	[spmem:s2] =	stream.indirect.scatter.add.f32 @p0 [tilespmem:s7], [sflag:$0x6], $0x50, s5, s8, $0xb8;
	[tilespmem:$0x17580] =	vst v63  }
0x44: {  	_ =	swait.ge @!p0 [sflag:s9], $0x2800  }
0x45: {  	s5 =	simm.s32 @!p0 $0x5000;
	s7 =	simm.s32 @!p0 $0x80;
	[sflag:s9] =	ssyncset.done @!p0 $0x0  }
0x46: {  	s8 =	simm.s32 @!p0 $0xA100;
	[sflag:s9] =	ssyncadd.s32 @!p0 $0xFFFFD800;
	s9 =	simm.s32 @!p0 $0x2  }
0x47: {  	[tilespmem:s5], [sflag:$0x3] =	stream.indirect.gather @!p0 [hbm4b:s4+s7], $0x50, s8, s7, $0xb8;
	[tilespmem:$0x17580] =	vst v63  }
0x48: {  	_ =	swait.ge @!p0 [sflag:s9], $0x2800  }
0x49: {  	s5 =	simm.s32 @!p0 $0xA480;
	[sflag:s9] =	ssyncset.done @!p0 $0x0  }
0x4a: {  	s8 =	simm.s32 @!p0 $0x2800;
	[sflag:s9] =	ssyncadd.s32 @!p0 $0xFFFFD800;
	s9 =	simm.s32 @!p0 $0x8  }
0x4b: {  	[spmem:s2] =	stream.indirect.scatter.add.f32 @!p0 [tilespmem:s8], [sflag:$0x6], $0x50, s5, s7, $0xb8;
	[tilespmem:$0x17580] =	vst v63  }
0x4c: {  	_ =	swait.ge @!p0 [sflag:s9], $0x2800  }
0x4d: {  	[sflag:s9] =	ssyncset.done @!p0 $0x0  }
0x4e: {  	s7 =	rddreg [dreg:$0x6];
	[sflag:s9] =	ssyncadd.s32 @!p0 $0xFFFFD800  }
0x4f: {  	[tilespmem:s20], [sflag:$0x4] =	stream.indirect.gather [hbm4b:s4+s16], $0x50, s7, s16, $0xb8;
	[tilespmem:$0x17580] =	vst v63  }
0x50: {  	_ =	swait.ge [sflag:s21], $0x2800  }
0x51: {  	[sflag:s21] =	ssyncset.done $0x0  }
0x52: {  	s8 =	rddreg [dreg:$0x7];
	[sflag:s21] =	ssyncadd.s32 $0xFFFFD800  }
0x53: {  	[spmem:s2] =	stream.indirect.scatter.add.f32 [tilespmem:s22], [sflag:$0x7], $0x50, s8, s16, $0xb8;
	[tilespmem:$0x17580] =	vst v63  }
0x54: {  	_ =	swait.ge [sflag:s23], $0x2800  }
0x55: {  	s9 =	rddreg [dreg:$0x5];
	[sflag:s23] =	ssyncset.done $0x0  }
0x56: {  	s10 =	sadd.s32 $0x0, s11;
	[sflag:s23] =	ssyncadd.s32 $0xFFFFD800;
	s5 =	sadd.s32 $0x0, s9  }
0x57: {  	[tilespmem:s24], [sflag:$0x9] =	stream.linear.gather [hbm4b:s5+s3], $0x400, $0x38;
	[tilespmem:$0x17580] =	vst v63  }
0x58: {  	s7 =	sadd.s32 $0x80, s10  }
0x59: {  	[tilespmem:s25], [sflag:$0x9] =	stream.linear.gather [hbm4b:s7+s3], $0x400, $0x38;
	[tilespmem:$0x17580] =	vst v63  }
0x5a: {  	s14 =	rddreg [dreg:$0x8]  }
0x5b: {  	[tilespmem:s3], [sflag:$0x1] =	stream.indirect.gather [hbm4b:s4+s16], $0x50, s14, s16, $0xb8;
	[tilespmem:$0x17580] =	vst v63  }
0x5c: {  	_ =	swait.ge [sflag:s26], $0x2800  }
0x5d: {  	[sflag:s26] =	ssyncset.done $0x0  }
0x5e: {  	s17 =	rddreg [dreg:$0x9];
	[sflag:s26] =	ssyncadd.s32 $0xFFFFD800  }
0x5f: {  	[spmem:s2] =	stream.indirect.scatter.add.f32 [tilespmem:s20], [sflag:$0x8], $0x50, s17, s16, $0xb8;
	[tilespmem:$0x17580] =	vst v63  }
0x60: {  	_ =	swait.ge [sflag:s28], $0x2800  }
0x61: {  	[sflag:s28] =	ssyncset.done $0x0  }
0x62: {  	s6 =	rddreg [dreg:$0xa];
	[sflag:s28] =	ssyncadd.s32 $0xFFFFD800  }
0x63: {  	[tilespmem:s18], [sflag:$0x2] =	stream.indirect.gather [hbm4b:s4+s16], $0x50, s6, s16, $0xb8;
	[tilespmem:$0x17580] =	vst v63  }
0x64: {  	_ =	swait.ge [sflag:s19], $0x2800  }
0x65: {  	[sflag:s19] =	ssyncset.done $0x0  }
0x66: {  	s7 =	rddreg [dreg:$0xb];
	[sflag:s19] =	ssyncadd.s32 $0xFFFFD800  }
0x67: {  	[spmem:s2] =	stream.indirect.scatter.add.f32 [tilespmem:s3], [sflag:$0x5], $0x50, s7, s16, $0xb8;
	[tilespmem:$0x17580] =	vst v63  }
0x68: {  	_ =	swait.ge [sflag:s29], $0x2800  }
0x69: {  	[sflag:s29] =	ssyncset.done $0x0  }
0x6a: {  	s8 =	rddreg [dreg:$0xc];
	[sflag:s29] =	ssyncadd.s32 $0xFFFFD800  }
0x6b: {  	[tilespmem:s22], [sflag:$0x3] =	stream.indirect.gather [hbm4b:s4+s16], $0x50, s8, s16, $0xb8;
	[tilespmem:$0x17580] =	vst v63  }
0x6c: {  	_ =	swait.ge [sflag:s30], $0x2800  }
0x6d: {  	[sflag:s30] =	ssyncset.done $0x0  }
0x6e: {  	s9 =	rddreg [dreg:$0xd];
	[sflag:s30] =	ssyncadd.s32 $0xFFFFD800  }
0x6f: {  	[spmem:s2] =	stream.indirect.scatter.add.f32 [tilespmem:s18], [sflag:$0x6], $0x50, s9, s16, $0xb8;
	[tilespmem:$0x17580] =	vst v63  }
0x70: {  	_ =	swait.ge [sflag:s31], $0x2800  }
0x71: {  	[sflag:s31] =	ssyncset.done $0x0  }
0x72: {  	[sflag:s31] =	ssyncadd.s32 $0xFFFFD800  }
0x73: {  	_ =	swait.ge [sflag:s0], $0x400  }
0x74: {  	[sflag:s0] =	ssyncset.done $0x0  }
0x75: {  	[sflag:s0] =	ssyncadd.s32 $0xFFFFFC00  }
0x76: {  	_ =	swait.ge [sflag:s0], $0x400  }
0x77: {  	[sflag:s0] =	ssyncset.done $0x0  }
0x78: {  	s10 =	rddreg [dreg:$0xe];
	[sflag:s0] =	ssyncadd.s32 $0xFFFFFC00  }
0x79: {  	[tilespmem:s20], [sflag:$0x4] =	stream.indirect.gather [hbm4b:s4+s16], $0x50, s10, s16, $0xb8;
	[tilespmem:$0x17580] =	vst v63  }
0x7a: {  	_ =	swait.ge [sflag:s21], $0x2800  }
0x7b: {  	[sflag:s21] =	ssyncset.done $0x0  }
0x7c: {  	s14 =	rddreg [dreg:$0xf];
	[sflag:s21] =	ssyncadd.s32 $0xFFFFD800  }
0x7d: {  	[spmem:s2] =	stream.indirect.scatter.add.f32 [tilespmem:s22], [sflag:$0x7], $0x50, s14, s16, $0xb8;
	[tilespmem:$0x17580] =	vst v63  }
0x7e: {  	_ =	swait.ge [sflag:s23], $0x2800  }
0x7f: {  	[sflag:s23] =	ssyncset.done $0x0  }
0x80: {  	[sflag:s23] =	ssyncadd.s32 $0xFFFFD800  }
0x81: {  	[tilespmem:s3], [sflag:$0x1] =	stream.indirect.gather [hbm4b:s4+s16], $0x50, s24, s16, $0xb8;
	[tilespmem:$0x17580] =	vst v63  }
0x82: {  	_ =	swait.ge [sflag:s26], $0x2800  }
0x83: {  	[sflag:s26] =	ssyncset.done $0x0  }
0x84: {  	s17 =	rddreg [dreg:$0x10];
	[sflag:s26] =	ssyncadd.s32 $0xFFFFD800  }
0x85: {  	[spmem:s2] =	stream.indirect.scatter.add.f32 [tilespmem:s20], [sflag:$0x8], $0x50, s17, s16, $0xb8;
	[tilespmem:$0x17580] =	vst v63  }
0x86: {  	_ =	swait.ge [sflag:s28], $0x2800  }
0x87: {  	[sflag:s28] =	ssyncset.done $0x0  }
0x88: {  	s6 =	rddreg [dreg:$0x11];
	[sflag:s28] =	ssyncadd.s32 $0xFFFFD800  }
0x89: {  	[tilespmem:s18], [sflag:$0x2] =	stream.indirect.gather [hbm4b:s4+s16], $0x50, s6, s16, $0xb8;
	[tilespmem:$0x17580] =	vst v63  }
0x8a: {  	_ =	swait.ge [sflag:s19], $0x2800  }
0x8b: {  	[sflag:s19] =	ssyncset.done $0x0  }
0x8c: {  	[sflag:s19] =	ssyncadd.s32 $0xFFFFD800  }
0x8d: {  	[spmem:s2] =	stream.indirect.scatter.add.f32 [tilespmem:s3], [sflag:$0x5], $0x50, s25, s16, $0xb8;
	[tilespmem:$0x17580] =	vst v63  }
0x8e: {  	_ =	swait.ge [sflag:s29], $0x2800  }
0x8f: {  	[sflag:s29] =	ssyncset.done $0x0  }
0x90: {  	s7 =	rddreg [dreg:$0x12];
	[sflag:s29] =	ssyncadd.s32 $0xFFFFD800  }
0x91: {  	[tilespmem:s22], [sflag:$0x3] =	stream.indirect.gather [hbm4b:s4+s16], $0x50, s7, s16, $0xb8;
	[tilespmem:$0x17580] =	vst v63  }
0x92: {  	_ =	swait.ge [sflag:s30], $0x2800  }
0x93: {  	[sflag:s30] =	ssyncset.done $0x0  }
0x94: {  	s8 =	rddreg [dreg:$0x13];
	[sflag:s30] =	ssyncadd.s32 $0xFFFFD800  }
0x95: {  	[spmem:s2] =	stream.indirect.scatter.add.f32 [tilespmem:s18], [sflag:$0x6], $0x50, s8, s16, $0xb8;
	[tilespmem:$0x17580] =	vst v63  }
0x96: {  	_ =	swait.ge [sflag:s31], $0x2800  }
0x97: {  	[sflag:s31] =	ssyncset.done $0x0  }
0x98: {  	s9 =	rddreg [dreg:$0x14];
	[sflag:s31] =	ssyncadd.s32 $0xFFFFD800  }
0x99: {  	[tilespmem:s20], [sflag:$0x4] =	stream.indirect.gather [hbm4b:s4+s16], $0x50, s9, s16, $0xb8;
	[tilespmem:$0x17580] =	vst v63  }
0x9a: {  	_ =	swait.ge [sflag:s21], $0x2800  }
0x9b: {  	[sflag:s21] =	ssyncset.done $0x0  }
0x9c: {  	p1 =	por $0x0, $0x0;
	s10 =	rddreg [dreg:$0x15];
	[sflag:s21] =	ssyncadd.s32 $0xFFFFD800  }
0x9d: {  	[spmem:s2] =	stream.indirect.scatter.add.f32 [tilespmem:s22], [sflag:$0x7], $0x50, s10, s16, $0xb8;
	[tilespmem:$0x17580] =	vst v63  }
0x9e: {  	s5 =	simm.s32 @!p1 $0x0;
	_ =	swait.ge [sflag:s23], $0x2800  }
0x9f: {  	s7 =	simm.s32 @!p1 $0xA000;
	s8 =	rddreg [dreg:$0x4];
	[sflag:s23] =	ssyncset.done $0x0  }
0xa0: {  	s9 =	sadd.s32 @!p1 $0x0, s11;
	[sflag:s23] =	ssyncadd.s32 $0xFFFFD800;
	s8 =	sadd.s32 @!p1 $0x0, s8  }
0xa1: {  	[tilespmem:s7], [sflag:$0x9] =	stream.linear.gather @!p1 [hbm4b:s8+s5], $0x400, $0x38;
	[tilespmem:$0x17580] =	vst v63  }
0xa2: {  	s9 =	sadd.s32 @!p1 $0x100, s9;
	s10 =	simm.s32 @!p1 $0xA400  }
0xa3: {  	[tilespmem:s10], [sflag:$0x9] =	stream.linear.gather @!p1 [hbm4b:s9+s5], $0x400, $0x38;
	[tilespmem:$0x17580] =	vst v63  }
0xa4: {  	s14 =	rddreg [dreg:$0x16]  }
0xa5: {  	[tilespmem:s3], [sflag:$0x1] =	stream.indirect.gather [hbm4b:s4+s16], $0x50, s14, s16, $0xb8;
	[tilespmem:$0x17580] =	vst v63  }
0xa6: {  	_ =	swait.ge [sflag:s26], $0x2800  }
0xa7: {  	[sflag:s26] =	ssyncset.done $0x0  }
0xa8: {  	s17 =	rddreg [dreg:$0x17];
	[sflag:s26] =	ssyncadd.s32 $0xFFFFD800  }
0xa9: {  	[spmem:s2] =	stream.indirect.scatter.add.f32 [tilespmem:s20], [sflag:$0x8], $0x50, s17, s16, $0xb8;
	[tilespmem:$0x17580] =	vst v63  }
0xaa: {  	_ =	swait.ge [sflag:s28], $0x2800  }
0xab: {  	[sflag:s28] =	ssyncset.done $0x0  }
0xac: {  	s6 =	rddreg [dreg:$0x18];
	[sflag:s28] =	ssyncadd.s32 $0xFFFFD800  }
0xad: {  	[tilespmem:s18], [sflag:$0x2] =	stream.indirect.gather [hbm4b:s4+s16], $0x50, s6, s16, $0xb8;
	[tilespmem:$0x17580] =	vst v63  }
0xae: {  	_ =	swait.ge [sflag:s19], $0x2800  }
0xaf: {  	[sflag:s19] =	ssyncset.done $0x0  }
0xb0: {  	s9 =	rddreg [dreg:$0x19];
	[sflag:s19] =	ssyncadd.s32 $0xFFFFD800  }
0xb1: {  	[spmem:s2] =	stream.indirect.scatter.add.f32 [tilespmem:s3], [sflag:$0x5], $0x50, s9, s16, $0xb8;
	[tilespmem:$0x17580] =	vst v63  }
0xb2: {  	_ =	swait.ge [sflag:s29], $0x2800  }
0xb3: {  	[sflag:s29] =	ssyncset.done $0x0  }
0xb4: {  	s10 =	rddreg [dreg:$0x1a];
	[sflag:s29] =	ssyncadd.s32 $0xFFFFD800  }
0xb5: {  	[tilespmem:s22], [sflag:$0x3] =	stream.indirect.gather [hbm4b:s4+s16], $0x50, s10, s16, $0xb8;
	[tilespmem:$0x17580] =	vst v63  }
0xb6: {  	_ =	swait.ge [sflag:s30], $0x2800  }
0xb7: {  	[sflag:s30] =	ssyncset.done $0x0  }
0xb8: {  	s14 =	rddreg [dreg:$0x1b];
	[sflag:s30] =	ssyncadd.s32 $0xFFFFD800  }
0xb9: {  	[spmem:s2] =	stream.indirect.scatter.add.f32 [tilespmem:s18], [sflag:$0x6], $0x50, s14, s16, $0xb8;
	[tilespmem:$0x17580] =	vst v63  }
0xba: {  	_ =	swait.ge [sflag:s31], $0x2800  }
0xbb: {  	s8 =	simm.s32 @p1 $0x7800;
	[sflag:s31] =	ssyncset.done $0x0  }
0xbc: {  	s9 =	simm.s32 @p1 $0x80;
	s10 =	simm.s32 @p1 $0xAB80;
	[sflag:s31] =	ssyncadd.s32 $0xFFFFD800  }
0xbd: {  	[tilespmem:s8], [sflag:$0x4] =	stream.indirect.gather @p1 [hbm4b:s4+s9], $0x50, s10, s9, $0xb8;
	[tilespmem:$0x17580] =	vst v63  }
0xbe: {  	s8 =	simm.s32 @p1 $0x3  }
0xbf: {  	_ =	swait.ge @p1 [sflag:s8], $0x2800  }
0xc0: {  	[sflag:s8] =	ssyncset.done @p1 $0x0  }
0xc1: {  	s10 =	simm.s32 @p1 $0xAF00;
	[sflag:s8] =	ssyncadd.s32 @p1 $0xFFFFD800;
	s8 =	simm.s32 @p1 $0x5000  }
0xc2: {  	[spmem:s2] =	stream.indirect.scatter.add.f32 @p1 [tilespmem:s8], [sflag:$0x7], $0x50, s10, s9, $0xb8;
	[tilespmem:$0x17580] =	vst v63  }
0xc3: {  	s8 =	simm.s32 @p1 $0x5  }
0xc4: {  	_ =	swait.ge @p1 [sflag:s8], $0x2800  }
0xc5: {  	[sflag:s8] =	ssyncset.done @p1 $0x0  }
0xc6: {  	s9 =	simm.s32 @!p1 $0x9;
	[sflag:s8] =	ssyncadd.s32 @p1 $0xFFFFD800  }
0xc7: {  	_ =	swait.ge @!p1 [sflag:s9], $0x400  }
0xc8: {  	[sflag:s9] =	ssyncset.done @!p1 $0x0  }
0xc9: {  	[sflag:s9] =	ssyncadd.s32 @!p1 $0xFFFFFC00  }
0xca: {  	_ =	swait.ge @!p1 [sflag:s9], $0x400  }
0xcb: {  	s10 =	simm.s32 @!p1 $0x80;
	[sflag:s9] =	ssyncset.done @!p1 $0x0  }
0xcc: {  	s8 =	simm.s32 @!p1 $0x7800;
	[sflag:s9] =	ssyncadd.s32 @!p1 $0xFFFFFC00;
	s9 =	simm.s32 @!p1 $0xAB80  }
0xcd: {  	[tilespmem:s8], [sflag:$0x4] =	stream.indirect.gather @!p1 [hbm4b:s4+s10], $0x50, s9, s10, $0xb8;
	[tilespmem:$0x17580] =	vst v63  }
0xce: {  	s8 =	simm.s32 @!p1 $0x3  }
0xcf: {  	_ =	swait.ge @!p1 [sflag:s8], $0x2800  }
0xd0: {  	[sflag:s8] =	ssyncset.done @!p1 $0x0  }
0xd1: {  	s9 =	simm.s32 @!p1 $0xAF00;
	[sflag:s8] =	ssyncadd.s32 @!p1 $0xFFFFD800;
	s8 =	simm.s32 @!p1 $0x5000  }
0xd2: {  	[spmem:s2] =	stream.indirect.scatter.add.f32 @!p1 [tilespmem:s8], [sflag:$0x7], $0x50, s9, s10, $0xb8;
	[tilespmem:$0x17580] =	vst v63  }
0xd3: {  	s8 =	simm.s32 @!p1 $0x5  }
0xd4: {  	_ =	swait.ge @!p1 [sflag:s8], $0x2800  }
0xd5: {  	[sflag:s8] =	ssyncset.done @!p1 $0x0  }
0xd6: {  	[sflag:s8] =	ssyncadd.s32 @!p1 $0xFFFFD800  }
0xd7: {  	[tilespmem:s5], [sflag:$0x1] =	stream.indirect.gather @!p1 [hbm4b:s4+s10], $0x50, s7, s10, $0xb8;
	[tilespmem:$0x17580] =	vst v63  }
0xd8: {  	_ =	swait.ge [sflag:s26], $0x2800  }
0xd9: {  	[sflag:s26] =	ssyncset.done $0x0  }
0xda: {  	s17 =	rddreg [dreg:$0x1c];
	[sflag:s26] =	ssyncadd.s32 $0xFFFFD800  }
0xdb: {  	[spmem:s2] =	stream.indirect.scatter.add.f32 [tilespmem:s20], [sflag:$0x8], $0x50, s17, s16, $0xb8;
	[tilespmem:$0x17580] =	vst v63  }
0xdc: {  	s9 =	simm.s32 @!p1 $0x2800;
	s8 =	simm.s32 @!p1 $0xA080;
	_ =	swait.ge [sflag:s28], $0x2800  }
0xdd: {  	s5 =	simm.s32 $0x0;
	s17 =	simm.s32 $0x100;
	[sflag:s28] =	ssyncset.done $0x0  }
.LBB2_2:
0xde: {  	[sflag:s28] =	ssyncadd.s32 $0xFFFFD800  }
0xdf: {  	[tilespmem:s9], [sflag:$0x2] =	stream.indirect.gather @!p1 [hbm4b:s4+s10], $0x50, s8, s10, $0xb8;
	[tilespmem:$0x17580] =	vst v63  }
0xe0: {  	s7 =	smov.u32 s17;
	_ =	swait.ge [sflag:s19], $0x2800  }
0xe1: {  	p1 =	seq.s32 s7, $0x0;
	[sflag:s19] =	ssyncset.done $0x0  }
0xe2: {  	s8 =	simm.s32 @p1 $0xA100;
	[sflag:s19] =	ssyncadd.s32 $0xFFFFD800  }
0xe3: {  	[spmem:s2] =	stream.indirect.scatter.add.f32 [tilespmem:s3], [sflag:$0x5], $0x50, s15, s16, $0xb8;
	[tilespmem:$0x17580] =	vst v63  }
0xe4: {  	s9 =	simm.s32 @p1 $0x5000;
	s10 =	simm.s32 @p1 $0x80;
	s14 =	simm.s32 @p1 $0x2  }
0xe5: {  	[tilespmem:s9], [sflag:$0x3] =	stream.indirect.gather @p1 [hbm4b:s4+s10], $0x50, s8, s10, $0xb8;
	[tilespmem:$0x17580] =	vst v63  }
0xe6: {  	_ =	swait.ge @p1 [sflag:s14], $0x2800  }
0xe7: {  	s8 =	simm.s32 @p1 $0xA480;
	[sflag:s14] =	ssyncset.done @p1 $0x0  }
0xe8: {  	s9 =	simm.s32 @p1 $0x2800;
	[sflag:s14] =	ssyncadd.s32 @p1 $0xFFFFD800;
	s14 =	simm.s32 @!p1 $0x7  }
0xe9: {  	[spmem:s2] =	stream.indirect.scatter.add.f32 @p1 [tilespmem:s9], [sflag:$0x6], $0x50, s8, s10, $0xb8;
	[tilespmem:$0x17580] =	vst v63  }
0xea: {  	_ =	swait.ge @!p1 [sflag:s14], $0x2800  }
0xeb: {  	s8 =	simm.s32 @!p1 $0x5000;
	s9 =	simm.s32 @!p1 $0x80;
	[sflag:s14] =	ssyncset.done @!p1 $0x0  }
0xec: {  	s10 =	simm.s32 @!p1 $0xA100;
	[sflag:s14] =	ssyncadd.s32 @!p1 $0xFFFFD800;
	s14 =	simm.s32 @!p1 $0x2  }
0xed: {  	[tilespmem:s8], [sflag:$0x3] =	stream.indirect.gather @!p1 [hbm4b:s4+s9], $0x50, s10, s9, $0xb8;
	[tilespmem:$0x17580] =	vst v63  }
0xee: {  	_ =	swait.ge @!p1 [sflag:s14], $0x2800  }
0xef: {  	s8 =	simm.s32 @!p1 $0xA480;
	[sflag:s14] =	ssyncset.done @!p1 $0x0  }
0xf0: {  	s10 =	simm.s32 @!p1 $0x2800;
	[sflag:s14] =	ssyncadd.s32 @!p1 $0xFFFFD800;
	s14 =	simm.s32 @!p1 $0x8  }
0xf1: {  	[spmem:s2] =	stream.indirect.scatter.add.f32 @!p1 [tilespmem:s10], [sflag:$0x6], $0x50, s8, s9, $0xb8;
	[tilespmem:$0x17580] =	vst v63  }
0xf2: {  	_ =	swait.ge @!p1 [sflag:s14], $0x2800  }
0xf3: {  	[sflag:s14] =	ssyncset.done @!p1 $0x0  }
0xf4: {  	s6 =	rddreg [dreg:$0x6];
	[sflag:s14] =	ssyncadd.s32 @!p1 $0xFFFFD800  }
0xf5: {  	[tilespmem:s20], [sflag:$0x4] =	stream.indirect.gather [hbm4b:s4+s16], $0x50, s6, s16, $0xb8;
	[tilespmem:$0x17580] =	vst v63  }
0xf6: {  	_ =	swait.ge [sflag:s21], $0x2800  }
0xf7: {  	[sflag:s21] =	ssyncset.done $0x0  }
0xf8: {  	s9 =	rddreg [dreg:$0x7];
	[sflag:s21] =	ssyncadd.s32 $0xFFFFD800  }
0xf9: {  	[spmem:s2] =	stream.indirect.scatter.add.f32 [tilespmem:s22], [sflag:$0x7], $0x50, s9, s16, $0xb8;
	[tilespmem:$0x17580] =	vst v63  }
0xfa: {  	_ =	swait.ge [sflag:s23], $0x2800  }
0xfb: {  	s10 =	rddreg [dreg:$0x5];
	[sflag:s23] =	ssyncset.done $0x0  }
0xfc: {  	s14 =	sadd.s32 s7, s11;
	[sflag:s23] =	ssyncadd.s32 $0xFFFFD800;
	s8 =	sadd.s32 s7, s10  }
0xfd: {  	[tilespmem:s24], [sflag:$0x9] =	stream.linear.gather [hbm4b:s8+s3], $0x400, $0x38;
	[tilespmem:$0x17580] =	vst v63  }
0xfe: {  	s9 =	sadd.s32 $0x80, s14  }
0xff: {  	[tilespmem:s25], [sflag:$0x9] =	stream.linear.gather [hbm4b:s9+s3], $0x400, $0x38;
	[tilespmem:$0x17580] =	vst v63  }
0x100: {  	s6 =	rddreg [dreg:$0x8]  }
0x101: {  	[tilespmem:s3], [sflag:$0x1] =	stream.indirect.gather [hbm4b:s4+s16], $0x50, s6, s16, $0xb8;
	[tilespmem:$0x17580] =	vst v63  }
0x102: {  	_ =	swait.ge [sflag:s26], $0x2800  }
0x103: {  	[sflag:s26] =	ssyncset.done $0x0  }
0x104: {  	s14 =	rddreg [dreg:$0x9];
	[sflag:s26] =	ssyncadd.s32 $0xFFFFD800  }
0x105: {  	[spmem:s2] =	stream.indirect.scatter.add.f32 [tilespmem:s20], [sflag:$0x8], $0x50, s14, s16, $0xb8;
	[tilespmem:$0x17580] =	vst v63  }
0x106: {  	_ =	swait.ge [sflag:s28], $0x2800  }
0x107: {  	[sflag:s28] =	ssyncset.done $0x0  }
0x108: {  	s6 =	rddreg [dreg:$0xa];
	[sflag:s28] =	ssyncadd.s32 $0xFFFFD800  }
0x109: {  	[tilespmem:s18], [sflag:$0x2] =	stream.indirect.gather [hbm4b:s4+s16], $0x50, s6, s16, $0xb8;
	[tilespmem:$0x17580] =	vst v63  }
0x10a: {  	_ =	swait.ge [sflag:s19], $0x2800  }
0x10b: {  	[sflag:s19] =	ssyncset.done $0x0  }
0x10c: {  	s9 =	rddreg [dreg:$0xb];
	[sflag:s19] =	ssyncadd.s32 $0xFFFFD800  }
0x10d: {  	[spmem:s2] =	stream.indirect.scatter.add.f32 [tilespmem:s3], [sflag:$0x5], $0x50, s9, s16, $0xb8;
	[tilespmem:$0x17580] =	vst v63  }
0x10e: {  	_ =	swait.ge [sflag:s29], $0x2800  }
0x10f: {  	[sflag:s29] =	ssyncset.done $0x0  }
0x110: {  	s10 =	rddreg [dreg:$0xc];
	[sflag:s29] =	ssyncadd.s32 $0xFFFFD800  }
0x111: {  	[tilespmem:s22], [sflag:$0x3] =	stream.indirect.gather [hbm4b:s4+s16], $0x50, s10, s16, $0xb8;
	[tilespmem:$0x17580] =	vst v63  }
0x112: {  	_ =	swait.ge [sflag:s30], $0x2800  }
0x113: {  	[sflag:s30] =	ssyncset.done $0x0  }
0x114: {  	s14 =	rddreg [dreg:$0xd];
	[sflag:s30] =	ssyncadd.s32 $0xFFFFD800  }
0x115: {  	[spmem:s2] =	stream.indirect.scatter.add.f32 [tilespmem:s18], [sflag:$0x6], $0x50, s14, s16, $0xb8;
	[tilespmem:$0x17580] =	vst v63  }
0x116: {  	_ =	swait.ge [sflag:s31], $0x2800  }
0x117: {  	[sflag:s31] =	ssyncset.done $0x0  }
0x118: {  	[sflag:s31] =	ssyncadd.s32 $0xFFFFD800  }
0x119: {  	_ =	swait.ge [sflag:s0], $0x400  }
0x11a: {  	[sflag:s0] =	ssyncset.done $0x0  }
0x11b: {  	[sflag:s0] =	ssyncadd.s32 $0xFFFFFC00  }
0x11c: {  	_ =	swait.ge [sflag:s0], $0x400  }
0x11d: {  	[sflag:s0] =	ssyncset.done $0x0  }
0x11e: {  	s6 =	rddreg [dreg:$0xe];
	[sflag:s0] =	ssyncadd.s32 $0xFFFFFC00  }
0x11f: {  	[tilespmem:s20], [sflag:$0x4] =	stream.indirect.gather [hbm4b:s4+s16], $0x50, s6, s16, $0xb8;
	[tilespmem:$0x17580] =	vst v63  }
0x120: {  	_ =	swait.ge [sflag:s21], $0x2800  }
0x121: {  	[sflag:s21] =	ssyncset.done $0x0  }
0x122: {  	s9 =	rddreg [dreg:$0xf];
	[sflag:s21] =	ssyncadd.s32 $0xFFFFD800  }
0x123: {  	[spmem:s2] =	stream.indirect.scatter.add.f32 [tilespmem:s22], [sflag:$0x7], $0x50, s9, s16, $0xb8;
	[tilespmem:$0x17580] =	vst v63  }
0x124: {  	_ =	swait.ge [sflag:s23], $0x2800  }
0x125: {  	[sflag:s23] =	ssyncset.done $0x0  }
0x126: {  	[sflag:s23] =	ssyncadd.s32 $0xFFFFD800  }
0x127: {  	[tilespmem:s3], [sflag:$0x1] =	stream.indirect.gather [hbm4b:s4+s16], $0x50, s24, s16, $0xb8;
	[tilespmem:$0x17580] =	vst v63  }
0x128: {  	_ =	swait.ge [sflag:s26], $0x2800  }
0x129: {  	[sflag:s26] =	ssyncset.done $0x0  }
0x12a: {  	s10 =	rddreg [dreg:$0x10];
	[sflag:s26] =	ssyncadd.s32 $0xFFFFD800  }
0x12b: {  	[spmem:s2] =	stream.indirect.scatter.add.f32 [tilespmem:s20], [sflag:$0x8], $0x50, s10, s16, $0xb8;
	[tilespmem:$0x17580] =	vst v63  }
0x12c: {  	_ =	swait.ge [sflag:s28], $0x2800  }
0x12d: {  	[sflag:s28] =	ssyncset.done $0x0  }
0x12e: {  	s14 =	rddreg [dreg:$0x11];
	[sflag:s28] =	ssyncadd.s32 $0xFFFFD800  }
0x12f: {  	[tilespmem:s18], [sflag:$0x2] =	stream.indirect.gather [hbm4b:s4+s16], $0x50, s14, s16, $0xb8;
	[tilespmem:$0x17580] =	vst v63  }
0x130: {  	_ =	swait.ge [sflag:s19], $0x2800  }
0x131: {  	[sflag:s19] =	ssyncset.done $0x0  }
0x132: {  	[sflag:s19] =	ssyncadd.s32 $0xFFFFD800  }
0x133: {  	[spmem:s2] =	stream.indirect.scatter.add.f32 [tilespmem:s3], [sflag:$0x5], $0x50, s25, s16, $0xb8;
	[tilespmem:$0x17580] =	vst v63  }
0x134: {  	_ =	swait.ge [sflag:s29], $0x2800  }
0x135: {  	[sflag:s29] =	ssyncset.done $0x0  }
0x136: {  	s6 =	rddreg [dreg:$0x12];
	[sflag:s29] =	ssyncadd.s32 $0xFFFFD800  }
0x137: {  	[tilespmem:s22], [sflag:$0x3] =	stream.indirect.gather [hbm4b:s4+s16], $0x50, s6, s16, $0xb8;
	[tilespmem:$0x17580] =	vst v63  }
0x138: {  	_ =	swait.ge [sflag:s30], $0x2800  }
0x139: {  	[sflag:s30] =	ssyncset.done $0x0  }
0x13a: {  	s9 =	rddreg [dreg:$0x13];
	[sflag:s30] =	ssyncadd.s32 $0xFFFFD800  }
0x13b: {  	[spmem:s2] =	stream.indirect.scatter.add.f32 [tilespmem:s18], [sflag:$0x6], $0x50, s9, s16, $0xb8;
	[tilespmem:$0x17580] =	vst v63  }
0x13c: {  	_ =	swait.ge [sflag:s31], $0x2800  }
0x13d: {  	[sflag:s31] =	ssyncset.done $0x0  }
0x13e: {  	s10 =	rddreg [dreg:$0x14];
	[sflag:s31] =	ssyncadd.s32 $0xFFFFD800  }
0x13f: {  	[tilespmem:s20], [sflag:$0x4] =	stream.indirect.gather [hbm4b:s4+s16], $0x50, s10, s16, $0xb8;
	[tilespmem:$0x17580] =	vst v63  }
0x140: {  	_ =	swait.ge [sflag:s21], $0x2800  }
0x141: {  	s5 =	sadd.s32 $0x1, s5;
	[sflag:s21] =	ssyncset.done $0x0  }
0x142: {  	p1 =	sgt.u32 s5, $0x8;
	s14 =	rddreg [dreg:$0x15];
	[sflag:s21] =	ssyncadd.s32 $0xFFFFD800  }
0x143: {  	[spmem:s2] =	stream.indirect.scatter.add.f32 [tilespmem:s22], [sflag:$0x7], $0x50, s14, s16, $0xb8;
	[tilespmem:$0x17580] =	vst v63  }
0x144: {  	s8 =	simm.s32 @!p1 $0x0;
	_ =	swait.ge [sflag:s23], $0x2800  }
0x145: {  	s9 =	simm.s32 @!p1 $0xA000;
	s10 =	rddreg [dreg:$0x4];
	[sflag:s23] =	ssyncset.done $0x0  }
0x146: {  	[sflag:s23] =	ssyncadd.s32 $0xFFFFD800;
	s10 =	sadd.s32 @!p1 s7, s10;
	s7 =	sadd.s32 @!p1 s7, s11  }
0x147: {  	[tilespmem:s9], [sflag:$0x9] =	stream.linear.gather @!p1 [hbm4b:s10+s8], $0x400, $0x38;
	[tilespmem:$0x17580] =	vst v63  }
0x148: {  	s7 =	sadd.s32 @!p1 $0x100, s7;
	s10 =	simm.s32 @!p1 $0xA400  }
0x149: {  	[tilespmem:s10], [sflag:$0x9] =	stream.linear.gather @!p1 [hbm4b:s7+s8], $0x400, $0x38;
	[tilespmem:$0x17580] =	vst v63  }
0x14a: {  	s6 =	rddreg [dreg:$0x16]  }
0x14b: {  	[tilespmem:s3], [sflag:$0x1] =	stream.indirect.gather [hbm4b:s4+s16], $0x50, s6, s16, $0xb8;
	[tilespmem:$0x17580] =	vst v63  }
0x14c: {  	_ =	swait.ge [sflag:s26], $0x2800  }
0x14d: {  	[sflag:s26] =	ssyncset.done $0x0  }
0x14e: {  	s6 =	rddreg [dreg:$0x17];
	[sflag:s26] =	ssyncadd.s32 $0xFFFFD800  }
0x14f: {  	[spmem:s2] =	stream.indirect.scatter.add.f32 [tilespmem:s20], [sflag:$0x8], $0x50, s6, s16, $0xb8;
	[tilespmem:$0x17580] =	vst v63  }
0x150: {  	_ =	swait.ge [sflag:s28], $0x2800  }
0x151: {  	[sflag:s28] =	ssyncset.done $0x0  }
0x152: {  	s10 =	rddreg [dreg:$0x18];
	[sflag:s28] =	ssyncadd.s32 $0xFFFFD800  }
0x153: {  	[tilespmem:s18], [sflag:$0x2] =	stream.indirect.gather [hbm4b:s4+s16], $0x50, s10, s16, $0xb8;
	[tilespmem:$0x17580] =	vst v63  }
0x154: {  	_ =	swait.ge [sflag:s19], $0x2800  }
0x155: {  	[sflag:s19] =	ssyncset.done $0x0  }
0x156: {  	s14 =	rddreg [dreg:$0x19];
	[sflag:s19] =	ssyncadd.s32 $0xFFFFD800  }
0x157: {  	[spmem:s2] =	stream.indirect.scatter.add.f32 [tilespmem:s3], [sflag:$0x5], $0x50, s14, s16, $0xb8;
	[tilespmem:$0x17580] =	vst v63  }
0x158: {  	_ =	swait.ge [sflag:s29], $0x2800  }
0x159: {  	[sflag:s29] =	ssyncset.done $0x0  }
0x15a: {  	s6 =	rddreg [dreg:$0x1a];
	[sflag:s29] =	ssyncadd.s32 $0xFFFFD800  }
0x15b: {  	[tilespmem:s22], [sflag:$0x3] =	stream.indirect.gather [hbm4b:s4+s16], $0x50, s6, s16, $0xb8;
	[tilespmem:$0x17580] =	vst v63  }
0x15c: {  	_ =	swait.ge [sflag:s30], $0x2800  }
0x15d: {  	[sflag:s30] =	ssyncset.done $0x0  }
0x15e: {  	s10 =	rddreg [dreg:$0x1b];
	[sflag:s30] =	ssyncadd.s32 $0xFFFFD800  }
0x15f: {  	[spmem:s2] =	stream.indirect.scatter.add.f32 [tilespmem:s18], [sflag:$0x6], $0x50, s10, s16, $0xb8;
	[tilespmem:$0x17580] =	vst v63  }
0x160: {  	_ =	swait.ge [sflag:s31], $0x2800  }
0x161: {  	s7 =	simm.s32 @p1 $0x7800;
	s14 =	simm.s32 @p1 $0xAB80;
	[sflag:s31] =	ssyncset.done $0x0  }
0x162: {  	s6 =	simm.s32 @p1 $0x3;
	s10 =	simm.s32 @p1 $0x80;
	[sflag:s31] =	ssyncadd.s32 $0xFFFFD800  }
0x163: {  	[tilespmem:s7], [sflag:$0x4] =	stream.indirect.gather @p1 [hbm4b:s4+s10], $0x50, s14, s10, $0xb8;
	[tilespmem:$0x17580] =	vst v63  }
0x164: {  	_ =	swait.ge @p1 [sflag:s6], $0x2800  }
0x165: {  	s7 =	simm.s32 @p1 $0xAF00;
	[sflag:s6] =	ssyncset.done @p1 $0x0  }
0x166: {  	s14 =	simm.s32 @p1 $0x5000;
	[sflag:s6] =	ssyncadd.s32 @p1 $0xFFFFD800;
	s6 =	simm.s32 @p1 $0x5  }
0x167: {  	[spmem:s2] =	stream.indirect.scatter.add.f32 @p1 [tilespmem:s14], [sflag:$0x7], $0x50, s7, s10, $0xb8;
	[tilespmem:$0x17580] =	vst v63  }
0x168: {  	_ =	swait.ge @p1 [sflag:s6], $0x2800  }
0x169: {  	[sflag:s6] =	ssyncset.done @p1 $0x0  }
0x16a: {  	s7 =	simm.s32 @!p1 $0x9;
	[sflag:s6] =	ssyncadd.s32 @p1 $0xFFFFD800  }
0x16b: {  	_ =	swait.ge @!p1 [sflag:s7], $0x400  }
0x16c: {  	[sflag:s7] =	ssyncset.done @!p1 $0x0  }
0x16d: {  	[sflag:s7] =	ssyncadd.s32 @!p1 $0xFFFFFC00  }
0x16e: {  	_ =	swait.ge @!p1 [sflag:s7], $0x400  }
0x16f: {  	s10 =	simm.s32 @!p1 $0x80;
	s14 =	simm.s32 @!p1 $0xAB80;
	[sflag:s7] =	ssyncset.done @!p1 $0x0  }
0x170: {  	s6 =	simm.s32 @!p1 $0x7800;
	[sflag:s7] =	ssyncadd.s32 @!p1 $0xFFFFFC00;
	s7 =	simm.s32 @!p1 $0x3  }
0x171: {  	[tilespmem:s6], [sflag:$0x4] =	stream.indirect.gather @!p1 [hbm4b:s4+s10], $0x50, s14, s10, $0xb8;
	[tilespmem:$0x17580] =	vst v63  }
0x172: {  	_ =	swait.ge @!p1 [sflag:s7], $0x2800  }
0x173: {  	s6 =	simm.s32 @!p1 $0xAF00;
	[sflag:s7] =	ssyncset.done @!p1 $0x0  }
0x174: {  	s14 =	simm.s32 @!p1 $0x5000;
	[sflag:s7] =	ssyncadd.s32 @!p1 $0xFFFFD800;
	s7 =	simm.s32 @!p1 $0x5  }
0x175: {  	[spmem:s2] =	stream.indirect.scatter.add.f32 @!p1 [tilespmem:s14], [sflag:$0x7], $0x50, s6, s10, $0xb8;
	[tilespmem:$0x17580] =	vst v63  }
0x176: {  	_ =	swait.ge @!p1 [sflag:s7], $0x2800  }
0x177: {  	[sflag:s7] =	ssyncset.done @!p1 $0x0  }
0x178: {  	s17 =	sadd.s32 $0x100, s17;
	[sflag:s7] =	ssyncadd.s32 @!p1 $0xFFFFD800  }
0x179: {  	[tilespmem:s8], [sflag:$0x1] =	stream.indirect.gather @!p1 [hbm4b:s4+s10], $0x50, s9, s10, $0xb8;
	[tilespmem:$0x17580] =	vst v63  }
0x17a: {  	p0 =	sne.s32 s17, $0xA00;
	_ =	swait.ge [sflag:s26], $0x2800  }
.Ltmp0:
0x17b: {  	[sflag:s26] =	ssyncset.done $0x0;
	(pc) =	sbr.rel @p0 .LBB2_2-.Ltmp0, $4  }
0x17c: {  	s14 =	rddreg [dreg:$0x1c];
	[sflag:s26] =	ssyncadd.s32 $0xFFFFD800  }
0x17d: {  	[spmem:s2] =	stream.indirect.scatter.add.f32 [tilespmem:s20], [sflag:$0x8], $0x50, s14, s16, $0xb8;
	[tilespmem:$0x17580] =	vst v63  }
0x17e: {  	_ =	swait.ge [sflag:s28], $0x2800  }
0x17f: {  	s8 =	simm.s32 @!p1 $0xA080;
	s9 =	simm.s32 @!p1 $0x2800;
	[sflag:s28] =	ssyncset.done $0x0  }
0x180: {  	[sflag:s28] =	ssyncadd.s32 $0xFFFFD800  }
0x181: {  	[tilespmem:s9], [sflag:$0x2] =	stream.indirect.gather @!p1 [hbm4b:s4+s10], $0x50, s8, s10, $0xb8;
	[tilespmem:$0x17580] =	vst v63  }
0x182: {  	_ =	swait.ge [sflag:s29], $0x2800  }
0x183: {  	[sflag:s29] =	ssyncset.done $0x0  }
0x184: {  	[sflag:s29] =	ssyncadd.s32 $0xFFFFD800  }
0x185: {  	_ =	swait.ge [sflag:s31], $0x2800  }
0x186: {  	[sflag:s31] =	ssyncset.done $0x0  }
0x187: {  	[sflag:s31] =	ssyncadd.s32 $0xFFFFD800  }
0x188: {  	[bflag:$0x0] =	sbarrier.arrive $0xFFFF  }
0x189: {  	s5 =	sld [smem:$0x7FB]  }
0x18a: {  	s7 =	sld [smem:$0x7FD];
	_ =	sdelay $0x2  }
0x18b: {  	[hbm:s5], [sflag:s12] =	dma.local [spmem:s7], $0x18B0  }
0x18c: {  	_ =	swait.ge [sflag:s13], $0x18B0  }
0x18d: {  	s17 =	sld [smem:$0x7FC];
	_ =	sdelay $0x1  }
0x18e: {  	s1 =	sadd.s32 $0x1, s1  }
0x18f: {  	p0 =	sne.s32 s1, s17  }
.Ltmp1:
0x190: {  	_ = 	snop;
	(pc) =	sbr.rel @p0 .LBB2_1-.Ltmp1, $3  }
0x191: {  	_ =	sdelay $0x1  }
0x192: {  	[sflag:s13] =	ssyncset.done $0x0  }
0x193: {  	s6 =	smov.u32 s12;
	[sflag:s13] =	ssyncadd.s32 $0xFFFFE750  }
0x194: {  	_ =	sfence.sel $0x180000  }
0x195: {  	[bflag:$0x0] =	sbarrier.arrive $0xFFFF  }
0x196: {  	_ =	strace $0x90000047  }
0x197: {  	s0 =	stileid.u32;
	[bflag:$0x2] =	sbarrier.arrive $0xFFFF  }
0x198: {  	p0 =	sne.s32 s0, $0x0;
	s0 =	rddreg [dreg:$0x3]  }
0x199: {  	s0 =	sadd.s32 @!p0 $0x100000, s0  }
0x19a: {  	[sflag:s0] =	ssyncadd.tile.s32 @!p0 $0x1;
	_ =	shalt  }
.Lfunc_end2:
_tile_overlayer_lowered:
.L_overlay_start_2:
0x19b: {  	(tag) =	ssettag $0x2  }
0x19c: {  	s0 =	rddreg [dreg:$0x0];
	s2 =	stileid.u32  }
0x19d: {  	s1 =	rddreg [dreg:$0x1];
	p0 =	sne.s32 s2, $0x0  }
0x19e: {  	s3 =	rddreg [dreg:$0x2];
	[bflag:$0x3] =	sbarrier.arrive $0xFFFF;
	s2 =	simm.s32 @!p0 $0x1C0A  }
0x19f: {  	[timem:s3], [sflag:s2] =	dma.local @!p0 [hbm:s0], s1  }
0x1a0: {  	s0 =	simm.s32 @!p0 $0xA  }
0x1a1: {  	_ =	swait.ge @!p0 [sflag:s0], s1  }
0x1a2: {  	s1 =	ssub.s32 @!p0 $0x0, s1;
	[sflag:s0] =	ssyncset.done @!p0 $0x0  }
0x1a3: {  	[sflag:s0] =	ssyncadd.s32 @!p0 s1  }
0x1a4: {  	[bflag:$0x3] =	sbarrier.arrive $0xFFFF  }
0x1a5: {  	_ =	shalt  }

</sc_bundles>
